<compile_context>
chip_gen: v7x
topology: tpu7x:2x2x1
jax: 0.10.2.dev20260603
libtpu: 0.0.44.dev20260713+nightly
codegen_flags: <defaults>
</compile_context>

<pallas_src>
import functools

import jax
import jax.numpy as jnp
from jax import lax
from jax.experimental import pallas as pl
from jax.experimental.pallas import tpu as pltpu
from jax.experimental.pallas import tpu_sc as plsc

N = 10000
E = 320000
D = 128
BN_EPS = 1e-5

NC = 2
NS = 16
CHUNK = 125
NCHUNKS = E // (NC * NS) // CHUNK
STAGES = 5
CPS = NCHUNKS // STAGES
N_ACC = N
ROWS_PER_TILE = 624
TAIL_ROWS = N - NS * ROWS_PER_TILE


def _sc_segment_sum(x, ed):
    mesh = plsc.VectorSubcoreMesh(core_axis_name="c", subcore_axis_name="s")

    @functools.partial(
        pl.kernel,
        out_type=jax.ShapeDtypeStruct((NC, N, D), jnp.float32),
        mesh=mesh,
        scratch_types=[
            pltpu.VMEM((CPS, CHUNK), jnp.int32),
            pltpu.VMEM((CPS, CHUNK), jnp.int32),
            pltpu.VMEM((CHUNK, D), jnp.float32),
            pltpu.VMEM((CHUNK, D), jnp.float32),
            pltpu.VMEM_SHARED((N_ACC, D), jnp.float32),
            pltpu.SemaphoreType.DMA,
            pltpu.SemaphoreType.DMA,
            pltpu.SemaphoreType.DMA,
        ],
    )
    def sc_kernel(x_hbm, ed_hbm, out_hbm, src_v, dst_v, rows0,
                  rows1, acc, gsem0, gsem1, isem):
        cid = lax.axis_index("c")
        sid = lax.axis_index("s")
        row0 = sid * ROWS_PER_TILE

        def start_gather(j, buf, sem):
            pltpu.make_async_copy(x_hbm.at[src_v.at[j]], buf, sem).start()

        def wait_gather(j, buf, sem):
            pltpu.make_async_copy(x_hbm.at[src_v.at[j]], buf, sem).wait()

        pltpu.sync_copy(ed_hbm.at[0, cid, sid, 0], src_v)
        pltpu.sync_copy(ed_hbm.at[1, cid, sid, 0], dst_v)
        start_gather(0, rows0, gsem0)
        start_gather(1, rows1, gsem1)

        pltpu.make_async_copy(x_hbm.at[pl.ds(row0, ROWS_PER_TILE)],
                              acc.at[pl.ds(row0, ROWS_PER_TILE)],
                              isem).start()

        @pl.when(sid == 0)
        def _():
            pltpu.sync_copy(x_hbm.at[pl.ds(NS * ROWS_PER_TILE, TAIL_ROWS)],
                            acc.at[pl.ds(NS * ROWS_PER_TILE, TAIL_ROWS)])

        pltpu.make_async_copy(x_hbm.at[pl.ds(row0, ROWS_PER_TILE)],
                              acc.at[pl.ds(row0, ROWS_PER_TILE)],
                              isem).wait()
        plsc.subcore_barrier()

        @pl.loop(0, STAGES)
        def _(s):
            @pl.when(s > 0)
            def _():
                pltpu.sync_copy(ed_hbm.at[0, cid, sid, s], src_v)
                pltpu.sync_copy(ed_hbm.at[1, cid, sid, s], dst_v)
                start_gather(0, rows0, gsem0)
                start_gather(1, rows1, gsem1)

            @pl.loop(0, CPS // 2)
            def _(j):
                wait_gather(2 * j, rows0, gsem0)
                pltpu.sync_copy(rows0, acc.at[dst_v.at[2 * j]], add=True)

                @pl.when(j < CPS // 2 - 1)
                def _():
                    start_gather(2 * j + 2, rows0, gsem0)

                wait_gather(2 * j + 1, rows1, gsem1)
                pltpu.sync_copy(rows1, acc.at[dst_v.at[2 * j + 1]], add=True)

                @pl.when(j < CPS // 2 - 1)
                def _():
                    start_gather(2 * j + 3, rows1, gsem1)

        plsc.subcore_barrier()

        pltpu.sync_copy(acc.at[pl.ds(row0, ROWS_PER_TILE)],
                        out_hbm.at[cid].at[pl.ds(row0, ROWS_PER_TILE)])

        @pl.when(sid == 0)
        def _():
            pltpu.sync_copy(acc.at[pl.ds(NS * ROWS_PER_TILE, TAIL_ROWS)],
                            out_hbm.at[cid].at[pl.ds(NS * ROWS_PER_TILE,
                                                     TAIL_ROWS)])

    return sc_kernel(x, ed)


def _mlp_body(parts, x, w1, b1, g1, bt1, w2, b2, g2, bt2, o):
    h = parts[0] + parts[1] - x[...]
    y = lax.dot_general(h, w1[...], (((1,), (1,)), ((), ())),
                        preferred_element_type=jnp.float32) + b1[...]
    m = jnp.mean(y, axis=0, keepdims=True)
    v = jnp.mean((y - m) * (y - m), axis=0, keepdims=True)
    y = (y - m) * lax.rsqrt(v + BN_EPS) * g1[...] + bt1[...]
    y = jnp.maximum(y, 0.0)
    z = lax.dot_general(y, w2[...], (((1,), (1,)), ((), ())),
                        preferred_element_type=jnp.float32) + b2[...]
    m2 = jnp.mean(z, axis=0, keepdims=True)
    v2 = jnp.mean((z - m2) * (z - m2), axis=0, keepdims=True)
    z = (z - m2) * lax.rsqrt(v2 + BN_EPS) * g2[...] + bt2[...]
    o[...] = jnp.maximum(z, 0.0)


@jax.jit
def kernel(x, edge_index, W1, b1, g1, bt1, W2, b2, g2, bt2):
    ed = edge_index.astype(jnp.int32).reshape(2, NC, NS, STAGES, CPS, CHUNK)

    parts = _sc_segment_sum(x, ed)

    row = lambda v: v.reshape(1, D)
    return pl.pallas_call(
        _mlp_body,
        out_shape=jax.ShapeDtypeStruct((N, D), jnp.float32),
    )(parts, x, W1, row(b1), row(g1), row(bt1),
      W2, row(b2), row(g2), row(bt2))

# --- scband reference (transcript-rebuilt; emitter-appended) ---
"""Pipeline reference for scband-ginlayer-27367531610540 (READ-ONLY COPY).

The authoritative reference and input builder live on the scoring server;
editing this copy changes nothing except your own understanding.
"""

import jax, jax.numpy as jnp
import numpy as np

N = 10000
E = 320000
D = 128
BN_EPS = 1e-5


def setup_inputs(seed: int = 0) -> dict:
    key = jax.random.key(seed)
    ks = jax.random.split(key, 12)
    x = jax.random.normal(ks[0], (N, D), dtype=jnp.float32)
    edge_index = jax.random.randint(ks[1], (2, E), 0, N, dtype=jnp.int64)
    s = 1.0 / np.sqrt(D)
    W1 = jax.random.uniform(ks[2], (D, D), jnp.float32, -s, s)
    b1 = jax.random.uniform(ks[3], (D,), jnp.float32, -s, s)
    g1 = jnp.ones((D,), jnp.float32)
    bt1 = jnp.zeros((D,), jnp.float32)
    W2 = jax.random.uniform(ks[4], (D, D), jnp.float32, -s, s)
    b2 = jax.random.uniform(ks[5], (D,), jnp.float32, -s, s)
    g2 = jnp.ones((D,), jnp.float32)
    bt2 = jnp.zeros((D,), jnp.float32)
    return {"x": x, "edge_index": edge_index, "W1": W1, "b1": b1, "g1": g1,
            "bt1": bt1, "W2": W2, "b2": b2, "g2": g2, "bt2": bt2}


def _batch_norm(h, gamma, beta):
    mean = jnp.mean(h, axis=0)
    var = jnp.mean((h - mean) ** 2, axis=0)  # biased var, as torch BN training mode
    return (h - mean) / jnp.sqrt(var + BN_EPS) * gamma + beta


def reference(x, edge_index, W1, b1, g1, bt1, W2, b2, g2, bt2):
    src = edge_index[0]
    dst = edge_index[1]
    # GINConv: sum aggregation of neighbor features (gather + scatter-add)
    agg = jax.ops.segment_sum(jnp.take(x, src, axis=0), dst, num_segments=N)
    h = (1.0 + 0.0) * x + agg  # eps = 0 (GINConv default)
    # MLP: Linear -> BatchNorm1d -> ReLU -> Linear
    h = h @ W1.T + b1
    h = _batch_norm(h, g1, bt1)
    h = jax.nn.relu(h)
    h = h @ W2.T + b2
    # outer BatchNorm1d + ReLU
    h = _batch_norm(h, g2, bt2)
    h = jax.nn.relu(h)
    return h

if __name__ == "__main__":
    import jax
    _d = setup_inputs()
    print(jax.jit(kernel)(*tuple(_d.values())))

</pallas_src>

<mosaic_0001>
#map = affine_map<(d0, d1) -> (0, 0)>
#map1 = affine_map<(d0, d1) -> (0, 0, 0, 0, 0, 0)>
#map2 = affine_map<(d0, d1) -> (0, 0, 0)>
module attributes {stable_mosaic.version = 14 : i64} {
  func.func @sc_kernel(%arg0: i32, %arg1: i32, %arg2: memref<10000x128xf32, #tpu.memory_space<hbm>>, %arg3: memref<2x2x16x5x16x125xi32, #tpu.memory_space<hbm>>, %arg4: memref<2x10000x128xf32, #tpu.memory_space<hbm>>, %arg5: memref<16x125xi32, #tpu.memory_space<vmem>>, %arg6: memref<16x125xi32, #tpu.memory_space<vmem>>, %arg7: memref<125x128xf32, #tpu.memory_space<vmem>>, %arg8: memref<125x128xf32, #tpu.memory_space<vmem>>, %arg9: memref<10000x128xf32, #tpu.memory_space<vmem_shared>>, %arg10: memref<!tpu.dma_semaphore, #tpu.memory_space<semaphore_mem>>, %arg11: memref<!tpu.dma_semaphore, #tpu.memory_space<semaphore_mem>>, %arg12: memref<!tpu.dma_semaphore, #tpu.memory_space<semaphore_mem>>) attributes {dimension_semantics = [#tpu.dimension_semantics<core_parallel>, #tpu.dimension_semantics<subcore_parallel>], iteration_bounds = array<i64: 2, 16>, scalar_prefetch = 0 : i64, scratch_operands = 8 : i64, tpu.core_type = #tpu.core_type<sc_vector_subcore>, window_params = [{transform_indices = #map}, {transform_indices = #map1}, {transform_indices = #map2}]} {
    %mul3A = arith.constant 624 : i32
    %mul3A_0 = arith.muli %arg1, %mul3A : i32
    %run_scoped3A = arith.constant 0 : i32
    %run_scoped3A_1 = arith.constant 0 : i32
    "tpu.region"() ({
      %run_scoped3A_36 = tpu.sem_alloc : memref<!tpu.dma_semaphore, #tpu.memory_space<semaphore_mem>>
      %dma_start3A_37 = arith.constant 0 : i32
      %dma_start3A_38 = arith.constant 0 : i32
      %dma_start3A_39 = tpu.memref_slice %arg3[%run_scoped3A, %arg0, %arg1, %run_scoped3A_1, %dma_start3A_37, %dma_start3A_38] : memref<2x2x16x5x16x125xi32, #tpu.memory_space<hbm>> -> memref<1x1x1x1x16x125xi32, #tpu.memory_space<hbm>>
      %dma_start3A_40 = tpu.memref_squeeze %dma_start3A_39 : memref<1x1x1x1x16x125xi32, #tpu.memory_space<hbm>> -> memref<16x125xi32, #tpu.memory_space<hbm>>
      %dma_start3A_41 = arith.constant 0 : i32
      %dma_start3A_42 = arith.constant 0 : i32
      %dma_start3A_43 = tpu.memref_slice %arg3[%run_scoped3A, %arg0, %arg1, %run_scoped3A_1, %dma_start3A_41, %dma_start3A_42] : memref<2x2x16x5x16x125xi32, #tpu.memory_space<hbm>> -> memref<1x1x1x1x16x125xi32, #tpu.memory_space<hbm>>
      %dma_start3A_44 = tpu.memref_squeeze %dma_start3A_43 : memref<1x1x1x1x16x125xi32, #tpu.memory_space<hbm>> -> memref<16x125xi32, #tpu.memory_space<hbm>>
      tpu.enqueue_dma source(%dma_start3A_44 : memref<16x125xi32, #tpu.memory_space<hbm>>) target(%arg5 : memref<16x125xi32, #tpu.memory_space<vmem>>) target_semaphore(%run_scoped3A_36 : memref<!tpu.dma_semaphore, #tpu.memory_space<semaphore_mem>>)
      %dma_wait3A_45 = arith.constant 0 : i32
      %dma_wait3A_46 = arith.constant 0 : i32
      %dma_wait3A_47 = tpu.memref_slice %arg3[%run_scoped3A, %arg0, %arg1, %run_scoped3A_1, %dma_wait3A_45, %dma_wait3A_46] : memref<2x2x16x5x16x125xi32, #tpu.memory_space<hbm>> -> memref<1x1x1x1x16x125xi32, #tpu.memory_space<hbm>>
      %dma_wait3A_48 = tpu.memref_squeeze %dma_wait3A_47 : memref<1x1x1x1x16x125xi32, #tpu.memory_space<hbm>> -> memref<16x125xi32, #tpu.memory_space<hbm>>
      %dma_wait3A_49 = arith.constant 0 : i32
      %dma_wait3A_50 = arith.constant 0 : i32
      %dma_wait3A_51 = tpu.memref_slice %arg3[%run_scoped3A, %arg0, %arg1, %run_scoped3A_1, %dma_wait3A_49, %dma_wait3A_50] : memref<2x2x16x5x16x125xi32, #tpu.memory_space<hbm>> -> memref<1x1x1x1x16x125xi32, #tpu.memory_space<hbm>>
      %dma_wait3A_52 = tpu.memref_squeeze %dma_wait3A_51 : memref<1x1x1x1x16x125xi32, #tpu.memory_space<hbm>> -> memref<16x125xi32, #tpu.memory_space<hbm>>
      tpu.wait_dma2 semaphore(%run_scoped3A_36 : memref<!tpu.dma_semaphore, #tpu.memory_space<semaphore_mem>>) src(%dma_wait3A_52 : memref<16x125xi32, #tpu.memory_space<hbm>>) dst(%arg5 : memref<16x125xi32, #tpu.memory_space<vmem>>)
      tpu.yield
    }) : () -> ()
    %run_scoped3A_2 = arith.constant 1 : i32
    %run_scoped3A_3 = arith.constant 0 : i32
    "tpu.region"() ({
      %run_scoped3A_36 = tpu.sem_alloc : memref<!tpu.dma_semaphore, #tpu.memory_space<semaphore_mem>>
      %dma_start3A_37 = arith.constant 0 : i32
      %dma_start3A_38 = arith.constant 0 : i32
      %dma_start3A_39 = tpu.memref_slice %arg3[%run_scoped3A_2, %arg0, %arg1, %run_scoped3A_3, %dma_start3A_37, %dma_start3A_38] : memref<2x2x16x5x16x125xi32, #tpu.memory_space<hbm>> -> memref<1x1x1x1x16x125xi32, #tpu.memory_space<hbm>>
      %dma_start3A_40 = tpu.memref_squeeze %dma_start3A_39 : memref<1x1x1x1x16x125xi32, #tpu.memory_space<hbm>> -> memref<16x125xi32, #tpu.memory_space<hbm>>
      %dma_start3A_41 = arith.constant 0 : i32
      %dma_start3A_42 = arith.constant 0 : i32
      %dma_start3A_43 = tpu.memref_slice %arg3[%run_scoped3A_2, %arg0, %arg1, %run_scoped3A_3, %dma_start3A_41, %dma_start3A_42] : memref<2x2x16x5x16x125xi32, #tpu.memory_space<hbm>> -> memref<1x1x1x1x16x125xi32, #tpu.memory_space<hbm>>
      %dma_start3A_44 = tpu.memref_squeeze %dma_start3A_43 : memref<1x1x1x1x16x125xi32, #tpu.memory_space<hbm>> -> memref<16x125xi32, #tpu.memory_space<hbm>>
      tpu.enqueue_dma source(%dma_start3A_44 : memref<16x125xi32, #tpu.memory_space<hbm>>) target(%arg6 : memref<16x125xi32, #tpu.memory_space<vmem>>) target_semaphore(%run_scoped3A_36 : memref<!tpu.dma_semaphore, #tpu.memory_space<semaphore_mem>>)
      %dma_wait3A_45 = arith.constant 0 : i32
      %dma_wait3A_46 = arith.constant 0 : i32
      %dma_wait3A_47 = tpu.memref_slice %arg3[%run_scoped3A_2, %arg0, %arg1, %run_scoped3A_3, %dma_wait3A_45, %dma_wait3A_46] : memref<2x2x16x5x16x125xi32, #tpu.memory_space<hbm>> -> memref<1x1x1x1x16x125xi32, #tpu.memory_space<hbm>>
      %dma_wait3A_48 = tpu.memref_squeeze %dma_wait3A_47 : memref<1x1x1x1x16x125xi32, #tpu.memory_space<hbm>> -> memref<16x125xi32, #tpu.memory_space<hbm>>
      %dma_wait3A_49 = arith.constant 0 : i32
      %dma_wait3A_50 = arith.constant 0 : i32
      %dma_wait3A_51 = tpu.memref_slice %arg3[%run_scoped3A_2, %arg0, %arg1, %run_scoped3A_3, %dma_wait3A_49, %dma_wait3A_50] : memref<2x2x16x5x16x125xi32, #tpu.memory_space<hbm>> -> memref<1x1x1x1x16x125xi32, #tpu.memory_space<hbm>>
      %dma_wait3A_52 = tpu.memref_squeeze %dma_wait3A_51 : memref<1x1x1x1x16x125xi32, #tpu.memory_space<hbm>> -> memref<16x125xi32, #tpu.memory_space<hbm>>
      tpu.wait_dma2 semaphore(%run_scoped3A_36 : memref<!tpu.dma_semaphore, #tpu.memory_space<semaphore_mem>>) src(%dma_wait3A_52 : memref<16x125xi32, #tpu.memory_space<hbm>>) dst(%arg6 : memref<16x125xi32, #tpu.memory_space<vmem>>)
      tpu.yield
    }) : () -> ()
    %dma_start3A = arith.constant 0 : i32
    %dma_start3A_4 = arith.constant 0 : i32
    %dma_start3A_5 = tpu.memref_slice %arg5[%dma_start3A, %dma_start3A_4] : memref<16x125xi32, #tpu.memory_space<vmem>> -> memref<1x125xi32, #tpu.memory_space<vmem>>
    %dma_start3A_6 = tpu.memref_squeeze %dma_start3A_5 : memref<1x125xi32, #tpu.memory_space<vmem>> -> memref<125xi32, #tpu.memory_space<vmem>>
    %dma_start3A_7 = arith.constant 0 : i32
    %dma_start3A_8 = arith.constant 0 : i32
    %dma_start3A_9 = tpu.memref_slice %arg2[%dma_start3A_7, %dma_start3A_8] : memref<10000x128xf32, #tpu.memory_space<hbm>> -> memref<10000x128xf32, #tpu.memory_space<hbm>>
    tpu.enqueue_indirect_dma source(%dma_start3A_9 : memref<10000x128xf32, #tpu.memory_space<hbm>>) target(%arg7 : memref<125x128xf32, #tpu.memory_space<vmem>>) offsets(%dma_start3A_6 : memref<125xi32, #tpu.memory_space<vmem>>) semaphore(%arg10 : memref<!tpu.dma_semaphore, #tpu.memory_space<semaphore_mem>>)
    %dma_start3A_10 = arith.constant 1 : i32
    %dma_start3A_11 = arith.constant 0 : i32
    %dma_start3A_12 = tpu.memref_slice %arg5[%dma_start3A_10, %dma_start3A_11] : memref<16x125xi32, #tpu.memory_space<vmem>> -> memref<1x125xi32, #tpu.memory_space<vmem>>
    %dma_start3A_13 = tpu.memref_squeeze %dma_start3A_12 : memref<1x125xi32, #tpu.memory_space<vmem>> -> memref<125xi32, #tpu.memory_space<vmem>>
    %dma_start3A_14 = arith.constant 0 : i32
    %dma_start3A_15 = arith.constant 0 : i32
    %dma_start3A_16 = tpu.memref_slice %arg2[%dma_start3A_14, %dma_start3A_15] : memref<10000x128xf32, #tpu.memory_space<hbm>> -> memref<10000x128xf32, #tpu.memory_space<hbm>>
    tpu.enqueue_indirect_dma source(%dma_start3A_16 : memref<10000x128xf32, #tpu.memory_space<hbm>>) target(%arg8 : memref<125x128xf32, #tpu.memory_space<vmem>>) offsets(%dma_start3A_13 : memref<125xi32, #tpu.memory_space<vmem>>) semaphore(%arg11 : memref<!tpu.dma_semaphore, #tpu.memory_space<semaphore_mem>>)
    %dma_start3A_17 = arith.constant 0 : i32
    %dma_start3A_18 = tpu.memref_slice %arg9[%mul3A_0, %dma_start3A_17] : memref<10000x128xf32, #tpu.memory_space<vmem_shared>> -> memref<624x128xf32, #tpu.memory_space<vmem_shared>>
    %dma_start3A_19 = arith.constant 0 : i32
    %dma_start3A_20 = tpu.memref_slice %arg2[%mul3A_0, %dma_start3A_19] : memref<10000x128xf32, #tpu.memory_space<hbm>> -> memref<624x128xf32, #tpu.memory_space<hbm>>
    tpu.enqueue_dma source(%dma_start3A_20 : memref<624x128xf32, #tpu.memory_space<hbm>>) target(%dma_start3A_18 : memref<624x128xf32, #tpu.memory_space<vmem_shared>>) target_semaphore(%arg12 : memref<!tpu.dma_semaphore, #tpu.memory_space<semaphore_mem>>)
    %eq3A = arith.constant 0 : i32
    %eq3A_21 = arith.cmpi eq, %arg1, %eq3A : i32
    %convert_element_type3A = arith.extui %eq3A_21 : i1 to i32
    %cond3A = arith.constant 0 : i32
    %cond3A_22 = arith.cmpi ne, %convert_element_type3A, %cond3A : i32
    scf.if %cond3A_22 {
      "tpu.region"() ({
        %run_scoped3A_36 = tpu.sem_alloc : memref<!tpu.dma_semaphore, #tpu.memory_space<semaphore_mem>>
        %dma_start3A_37 = arith.constant 9984 : i32
        %dma_start3A_38 = arith.constant 0 : i32
        %dma_start3A_39 = tpu.memref_slice %arg9[%dma_start3A_37, %dma_start3A_38] : memref<10000x128xf32, #tpu.memory_space<vmem_shared>> -> memref<16x128xf32, #tpu.memory_space<vmem_shared>>
        %dma_start3A_40 = arith.constant 9984 : i32
        %dma_start3A_41 = arith.constant 0 : i32
        %dma_start3A_42 = tpu.memref_slice %arg2[%dma_start3A_40, %dma_start3A_41] : memref<10000x128xf32, #tpu.memory_space<hbm>> -> memref<16x128xf32, #tpu.memory_space<hbm>>
        tpu.enqueue_dma source(%dma_start3A_42 : memref<16x128xf32, #tpu.memory_space<hbm>>) target(%dma_start3A_39 : memref<16x128xf32, #tpu.memory_space<vmem_shared>>) target_semaphore(%run_scoped3A_36 : memref<!tpu.dma_semaphore, #tpu.memory_space<semaphore_mem>>)
        %dma_wait3A_43 = arith.constant 9984 : i32
        %dma_wait3A_44 = arith.constant 0 : i32
        %dma_wait3A_45 = tpu.memref_slice %arg9[%dma_wait3A_43, %dma_wait3A_44] : memref<10000x128xf32, #tpu.memory_space<vmem_shared>> -> memref<16x128xf32, #tpu.memory_space<vmem_shared>>
        %dma_wait3A_46 = arith.constant 9984 : i32
        %dma_wait3A_47 = arith.constant 0 : i32
        %dma_wait3A_48 = tpu.memref_slice %arg2[%dma_wait3A_46, %dma_wait3A_47] : memref<10000x128xf32, #tpu.memory_space<hbm>> -> memref<16x128xf32, #tpu.memory_space<hbm>>
        tpu.wait_dma2 semaphore(%run_scoped3A_36 : memref<!tpu.dma_semaphore, #tpu.memory_space<semaphore_mem>>) src(%dma_wait3A_48 : memref<16x128xf32, #tpu.memory_space<hbm>>) dst(%dma_wait3A_45 : memref<16x128xf32, #tpu.memory_space<vmem_shared>>)
        tpu.yield
      }) : () -> ()
    } else {
    }
    %dma_wait3A = arith.constant 0 : i32
    %dma_wait3A_23 = tpu.memref_slice %arg9[%mul3A_0, %dma_wait3A] : memref<10000x128xf32, #tpu.memory_space<vmem_shared>> -> memref<624x128xf32, #tpu.memory_space<vmem_shared>>
    %dma_wait3A_24 = arith.constant 0 : i32
    %dma_wait3A_25 = tpu.memref_slice %arg2[%mul3A_0, %dma_wait3A_24] : memref<10000x128xf32, #tpu.memory_space<hbm>> -> memref<624x128xf32, #tpu.memory_space<hbm>>
    tpu.wait_dma2 semaphore(%arg12 : memref<!tpu.dma_semaphore, #tpu.memory_space<semaphore_mem>>) src(%dma_wait3A_25 : memref<624x128xf32, #tpu.memory_space<hbm>>) dst(%dma_wait3A_23 : memref<624x128xf32, #tpu.memory_space<vmem_shared>>)
    %barrier3A = arith.constant 0 : index
    tpu.barrier barrier_id(%barrier3A)
    %scan3A = arith.constant 0 : i32
    %scan3A_26 = arith.constant 5 : i32
    %scan3A_27 = arith.addi %scan3A, %scan3A_26 : i32
    %scan3A_28 = arith.constant 1 : i32
    scf.for %scan3A_36 = %scan3A to %scan3A_27 step %scan3A_28  : i32 {
      %mul3A_37 = arith.constant 1 : i32
      %mul3A_38 = arith.muli %scan3A_36, %mul3A_37 : i32
      %add3A = arith.constant 0 : i32
      %add3A_39 = arith.addi %add3A, %mul3A_38 : i32
      %gt3A = arith.constant 0 : i32
      %gt3A_40 = arith.cmpi sgt, %add3A_39, %gt3A : i32
      %convert_element_type3A_41 = arith.extui %gt3A_40 : i1 to i32
      %cond3A_42 = arith.constant 0 : i32
      %cond3A_43 = arith.cmpi ne, %convert_element_type3A_41, %cond3A_42 : i32
      scf.if %cond3A_43 {
        %run_scoped3A_49 = arith.constant 0 : i32
        "tpu.region"() ({
          %run_scoped3A_65 = tpu.sem_alloc : memref<!tpu.dma_semaphore, #tpu.memory_space<semaphore_mem>>
          %dma_start3A_66 = arith.constant 0 : i32
          %dma_start3A_67 = arith.constant 0 : i32
          %dma_start3A_68 = tpu.memref_slice %arg3[%run_scoped3A_49, %arg0, %arg1, %add3A_39, %dma_start3A_66, %dma_start3A_67] : memref<2x2x16x5x16x125xi32, #tpu.memory_space<hbm>> -> memref<1x1x1x1x16x125xi32, #tpu.memory_space<hbm>>
          %dma_start3A_69 = tpu.memref_squeeze %dma_start3A_68 : memref<1x1x1x1x16x125xi32, #tpu.memory_space<hbm>> -> memref<16x125xi32, #tpu.memory_space<hbm>>
          %dma_start3A_70 = arith.constant 0 : i32
          %dma_start3A_71 = arith.constant 0 : i32
          %dma_start3A_72 = tpu.memref_slice %arg3[%run_scoped3A_49, %arg0, %arg1, %add3A_39, %dma_start3A_70, %dma_start3A_71] : memref<2x2x16x5x16x125xi32, #tpu.memory_space<hbm>> -> memref<1x1x1x1x16x125xi32, #tpu.memory_space<hbm>>
          %dma_start3A_73 = tpu.memref_squeeze %dma_start3A_72 : memref<1x1x1x1x16x125xi32, #tpu.memory_space<hbm>> -> memref<16x125xi32, #tpu.memory_space<hbm>>
          tpu.enqueue_dma source(%dma_start3A_73 : memref<16x125xi32, #tpu.memory_space<hbm>>) target(%arg5 : memref<16x125xi32, #tpu.memory_space<vmem>>) target_semaphore(%run_scoped3A_65 : memref<!tpu.dma_semaphore, #tpu.memory_space<semaphore_mem>>)
          %dma_wait3A_74 = arith.constant 0 : i32
          %dma_wait3A_75 = arith.constant 0 : i32
          %dma_wait3A_76 = tpu.memref_slice %arg3[%run_scoped3A_49, %arg0, %arg1, %add3A_39, %dma_wait3A_74, %dma_wait3A_75] : memref<2x2x16x5x16x125xi32, #tpu.memory_space<hbm>> -> memref<1x1x1x1x16x125xi32, #tpu.memory_space<hbm>>
          %dma_wait3A_77 = tpu.memref_squeeze %dma_wait3A_76 : memref<1x1x1x1x16x125xi32, #tpu.memory_space<hbm>> -> memref<16x125xi32, #tpu.memory_space<hbm>>
          %dma_wait3A_78 = arith.constant 0 : i32
          %dma_wait3A_79 = arith.constant 0 : i32
          %dma_wait3A_80 = tpu.memref_slice %arg3[%run_scoped3A_49, %arg0, %arg1, %add3A_39, %dma_wait3A_78, %dma_wait3A_79] : memref<2x2x16x5x16x125xi32, #tpu.memory_space<hbm>> -> memref<1x1x1x1x16x125xi32, #tpu.memory_space<hbm>>
          %dma_wait3A_81 = tpu.memref_squeeze %dma_wait3A_80 : memref<1x1x1x1x16x125xi32, #tpu.memory_space<hbm>> -> memref<16x125xi32, #tpu.memory_space<hbm>>
          tpu.wait_dma2 semaphore(%run_scoped3A_65 : memref<!tpu.dma_semaphore, #tpu.memory_space<semaphore_mem>>) src(%dma_wait3A_81 : memref<16x125xi32, #tpu.memory_space<hbm>>) dst(%arg5 : memref<16x125xi32, #tpu.memory_space<vmem>>)
          tpu.yield
        }) : () -> ()
        %run_scoped3A_50 = arith.constant 1 : i32
        "tpu.region"() ({
          %run_scoped3A_65 = tpu.sem_alloc : memref<!tpu.dma_semaphore, #tpu.memory_space<semaphore_mem>>
          %dma_start3A_66 = arith.constant 0 : i32
          %dma_start3A_67 = arith.constant 0 : i32
          %dma_start3A_68 = tpu.memref_slice %arg3[%run_scoped3A_50, %arg0, %arg1, %add3A_39, %dma_start3A_66, %dma_start3A_67] : memref<2x2x16x5x16x125xi32, #tpu.memory_space<hbm>> -> memref<1x1x1x1x16x125xi32, #tpu.memory_space<hbm>>
          %dma_start3A_69 = tpu.memref_squeeze %dma_start3A_68 : memref<1x1x1x1x16x125xi32, #tpu.memory_space<hbm>> -> memref<16x125xi32, #tpu.memory_space<hbm>>
          %dma_start3A_70 = arith.constant 0 : i32
          %dma_start3A_71 = arith.constant 0 : i32
          %dma_start3A_72 = tpu.memref_slice %arg3[%run_scoped3A_50, %arg0, %arg1, %add3A_39, %dma_start3A_70, %dma_start3A_71] : memref<2x2x16x5x16x125xi32, #tpu.memory_space<hbm>> -> memref<1x1x1x1x16x125xi32, #tpu.memory_space<hbm>>
          %dma_start3A_73 = tpu.memref_squeeze %dma_start3A_72 : memref<1x1x1x1x16x125xi32, #tpu.memory_space<hbm>> -> memref<16x125xi32, #tpu.memory_space<hbm>>
          tpu.enqueue_dma source(%dma_start3A_73 : memref<16x125xi32, #tpu.memory_space<hbm>>) target(%arg6 : memref<16x125xi32, #tpu.memory_space<vmem>>) target_semaphore(%run_scoped3A_65 : memref<!tpu.dma_semaphore, #tpu.memory_space<semaphore_mem>>)
          %dma_wait3A_74 = arith.constant 0 : i32
          %dma_wait3A_75 = arith.constant 0 : i32
          %dma_wait3A_76 = tpu.memref_slice %arg3[%run_scoped3A_50, %arg0, %arg1, %add3A_39, %dma_wait3A_74, %dma_wait3A_75] : memref<2x2x16x5x16x125xi32, #tpu.memory_space<hbm>> -> memref<1x1x1x1x16x125xi32, #tpu.memory_space<hbm>>
          %dma_wait3A_77 = tpu.memref_squeeze %dma_wait3A_76 : memref<1x1x1x1x16x125xi32, #tpu.memory_space<hbm>> -> memref<16x125xi32, #tpu.memory_space<hbm>>
          %dma_wait3A_78 = arith.constant 0 : i32
          %dma_wait3A_79 = arith.constant 0 : i32
          %dma_wait3A_80 = tpu.memref_slice %arg3[%run_scoped3A_50, %arg0, %arg1, %add3A_39, %dma_wait3A_78, %dma_wait3A_79] : memref<2x2x16x5x16x125xi32, #tpu.memory_space<hbm>> -> memref<1x1x1x1x16x125xi32, #tpu.memory_space<hbm>>
          %dma_wait3A_81 = tpu.memref_squeeze %dma_wait3A_80 : memref<1x1x1x1x16x125xi32, #tpu.memory_space<hbm>> -> memref<16x125xi32, #tpu.memory_space<hbm>>
          tpu.wait_dma2 semaphore(%run_scoped3A_65 : memref<!tpu.dma_semaphore, #tpu.memory_space<semaphore_mem>>) src(%dma_wait3A_81 : memref<16x125xi32, #tpu.memory_space<hbm>>) dst(%arg6 : memref<16x125xi32, #tpu.memory_space<vmem>>)
          tpu.yield
        }) : () -> ()
        %dma_start3A_51 = arith.constant 0 : i32
        %dma_start3A_52 = arith.constant 0 : i32
        %dma_start3A_53 = tpu.memref_slice %arg5[%dma_start3A_51, %dma_start3A_52] : memref<16x125xi32, #tpu.memory_space<vmem>> -> memref<1x125xi32, #tpu.memory_space<vmem>>
        %dma_start3A_54 = tpu.memref_squeeze %dma_start3A_53 : memref<1x125xi32, #tpu.memory_space<vmem>> -> memref<125xi32, #tpu.memory_space<vmem>>
        %dma_start3A_55 = arith.constant 0 : i32
        %dma_start3A_56 = arith.constant 0 : i32
        %dma_start3A_57 = tpu.memref_slice %arg2[%dma_start3A_55, %dma_start3A_56] : memref<10000x128xf32, #tpu.memory_space<hbm>> -> memref<10000x128xf32, #tpu.memory_space<hbm>>
        tpu.enqueue_indirect_dma source(%dma_start3A_57 : memref<10000x128xf32, #tpu.memory_space<hbm>>) target(%arg7 : memref<125x128xf32, #tpu.memory_space<vmem>>) offsets(%dma_start3A_54 : memref<125xi32, #tpu.memory_space<vmem>>) semaphore(%arg10 : memref<!tpu.dma_semaphore, #tpu.memory_space<semaphore_mem>>)
        %dma_start3A_58 = arith.constant 1 : i32
        %dma_start3A_59 = arith.constant 0 : i32
        %dma_start3A_60 = tpu.memref_slice %arg5[%dma_start3A_58, %dma_start3A_59] : memref<16x125xi32, #tpu.memory_space<vmem>> -> memref<1x125xi32, #tpu.memory_space<vmem>>
        %dma_start3A_61 = tpu.memref_squeeze %dma_start3A_60 : memref<1x125xi32, #tpu.memory_space<vmem>> -> memref<125xi32, #tpu.memory_space<vmem>>
        %dma_start3A_62 = arith.constant 0 : i32
        %dma_start3A_63 = arith.constant 0 : i32
        %dma_start3A_64 = tpu.memref_slice %arg2[%dma_start3A_62, %dma_start3A_63] : memref<10000x128xf32, #tpu.memory_space<hbm>> -> memref<10000x128xf32, #tpu.memory_space<hbm>>
        tpu.enqueue_indirect_dma source(%dma_start3A_64 : memref<10000x128xf32, #tpu.memory_space<hbm>>) target(%arg8 : memref<125x128xf32, #tpu.memory_space<vmem>>) offsets(%dma_start3A_61 : memref<125xi32, #tpu.memory_space<vmem>>) semaphore(%arg11 : memref<!tpu.dma_semaphore, #tpu.memory_space<semaphore_mem>>)
      } else {
      }
      %scan3A_44 = arith.constant 0 : i32
      %scan3A_45 = arith.constant 8 : i32
      %scan3A_46 = arith.addi %scan3A_44, %scan3A_45 : i32
      %scan3A_47 = arith.constant 1 : i32
      scf.for %scan3A_49 = %scan3A_44 to %scan3A_46 step %scan3A_47  : i32 {
        %mul3A_50 = arith.constant 1 : i32
        %mul3A_51 = arith.muli %scan3A_49, %mul3A_50 : i32
        %add3A_52 = arith.constant 0 : i32
        %add3A_53 = arith.addi %add3A_52, %mul3A_51 : i32
        %mul3A_54 = arith.constant 2 : i32
        %mul3A_55 = arith.muli %mul3A_54, %add3A_53 : i32
        %dma_wait3A_56 = arith.constant 0 : i32
        %dma_wait3A_57 = tpu.memref_slice %arg5[%mul3A_55, %dma_wait3A_56] : memref<16x125xi32, #tpu.memory_space<vmem>> -> memref<1x125xi32, #tpu.memory_space<vmem>>
        %dma_wait3A_58 = tpu.memref_squeeze %dma_wait3A_57 : memref<1x125xi32, #tpu.memory_space<vmem>> -> memref<125xi32, #tpu.memory_space<vmem>>
        %dma_wait3A_59 = arith.constant 0 : i32
        %dma_wait3A_60 = arith.constant 0 : i32
        %dma_wait3A_61 = tpu.memref_slice %arg2[%dma_wait3A_59, %dma_wait3A_60] : memref<10000x128xf32, #tpu.memory_space<hbm>> -> memref<10000x128xf32, #tpu.memory_space<hbm>>
        tpu.wait_indirect_dma semaphore(%arg10 : memref<!tpu.dma_semaphore, #tpu.memory_space<semaphore_mem>>) src(%dma_wait3A_61 : memref<10000x128xf32, #tpu.memory_space<hbm>>) dst(%arg7 : memref<125x128xf32, #tpu.memory_space<vmem>>)
        %mul3A_62 = arith.constant 2 : i32
        %mul3A_63 = arith.muli %mul3A_62, %add3A_53 : i32
        "tpu.region"() ({
          %run_scoped3A_87 = tpu.sem_alloc : memref<!tpu.dma_semaphore, #tpu.memory_space<semaphore_mem>>
          %dma_start3A_88 = arith.constant 0 : i32
          %dma_start3A_89 = tpu.memref_slice %arg6[%mul3A_63, %dma_start3A_88] : memref<16x125xi32, #tpu.memory_space<vmem>> -> memref<1x125xi32, #tpu.memory_space<vmem>>
          %dma_start3A_90 = tpu.memref_squeeze %dma_start3A_89 : memref<1x125xi32, #tpu.memory_space<vmem>> -> memref<125xi32, #tpu.memory_space<vmem>>
          %dma_start3A_91 = arith.constant 0 : i32
          %dma_start3A_92 = arith.constant 0 : i32
          %dma_start3A_93 = tpu.memref_slice %arg9[%dma_start3A_91, %dma_start3A_92] : memref<10000x128xf32, #tpu.memory_space<vmem_shared>> -> memref<10000x128xf32, #tpu.memory_space<vmem_shared>>
          tpu.enqueue_indirect_dma source(%arg7 : memref<125x128xf32, #tpu.memory_space<vmem>>) target(%dma_start3A_93 : memref<10000x128xf32, #tpu.memory_space<vmem_shared>>) offsets(%dma_start3A_90 : memref<125xi32, #tpu.memory_space<vmem>>) semaphore(%run_scoped3A_87 : memref<!tpu.dma_semaphore, #tpu.memory_space<semaphore_mem>>) {add = true}
          %dma_wait3A_94 = arith.constant 0 : i32
          %dma_wait3A_95 = tpu.memref_slice %arg6[%mul3A_63, %dma_wait3A_94] : memref<16x125xi32, #tpu.memory_space<vmem>> -> memref<1x125xi32, #tpu.memory_space<vmem>>
          %dma_wait3A_96 = tpu.memref_squeeze %dma_wait3A_95 : memref<1x125xi32, #tpu.memory_space<vmem>> -> memref<125xi32, #tpu.memory_space<vmem>>
          %dma_wait3A_97 = arith.constant 0 : i32
          %dma_wait3A_98 = arith.constant 0 : i32
          %dma_wait3A_99 = tpu.memref_slice %arg9[%dma_wait3A_97, %dma_wait3A_98] : memref<10000x128xf32, #tpu.memory_space<vmem_shared>> -> memref<10000x128xf32, #tpu.memory_space<vmem_shared>>
          tpu.wait_indirect_dma semaphore(%run_scoped3A_87 : memref<!tpu.dma_semaphore, #tpu.memory_space<semaphore_mem>>) src(%arg7 : memref<125x128xf32, #tpu.memory_space<vmem>>) dst(%dma_wait3A_99 : memref<10000x128xf32, #tpu.memory_space<vmem_shared>>)
          tpu.yield
        }) : () -> ()
        %lt3A = arith.constant 7 : i32
        %lt3A_64 = arith.cmpi slt, %add3A_53, %lt3A : i32
        %convert_element_type3A_65 = arith.extui %lt3A_64 : i1 to i32
        %cond3A_66 = arith.constant 0 : i32
        %cond3A_67 = arith.cmpi ne, %convert_element_type3A_65, %cond3A_66 : i32
        scf.if %cond3A_67 {
          %mul3A_87 = arith.constant 2 : i32
          %mul3A_88 = arith.muli %mul3A_87, %add3A_53 : i32
          %add3A_89 = arith.constant 2 : i32
          %add3A_90 = arith.addi %mul3A_88, %add3A_89 : i32
          %dma_start3A_91 = arith.constant 0 : i32
          %dma_start3A_92 = tpu.memref_slice %arg5[%add3A_90, %dma_start3A_91] : memref<16x125xi32, #tpu.memory_space<vmem>> -> memref<1x125xi32, #tpu.memory_space<vmem>>
          %dma_start3A_93 = tpu.memref_squeeze %dma_start3A_92 : memref<1x125xi32, #tpu.memory_space<vmem>> -> memref<125xi32, #tpu.memory_space<vmem>>
          %dma_start3A_94 = arith.constant 0 : i32
          %dma_start3A_95 = arith.constant 0 : i32
          %dma_start3A_96 = tpu.memref_slice %arg2[%dma_start3A_94, %dma_start3A_95] : memref<10000x128xf32, #tpu.memory_space<hbm>> -> memref<10000x128xf32, #tpu.memory_space<hbm>>
          tpu.enqueue_indirect_dma source(%dma_start3A_96 : memref<10000x128xf32, #tpu.memory_space<hbm>>) target(%arg7 : memref<125x128xf32, #tpu.memory_space<vmem>>) offsets(%dma_start3A_93 : memref<125xi32, #tpu.memory_space<vmem>>) semaphore(%arg10 : memref<!tpu.dma_semaphore, #tpu.memory_space<semaphore_mem>>)
        } else {
        }
        %mul3A_68 = arith.constant 2 : i32
        %mul3A_69 = arith.muli %mul3A_68, %add3A_53 : i32
        %add3A_70 = arith.constant 1 : i32
        %add3A_71 = arith.addi %mul3A_69, %add3A_70 : i32
        %dma_wait3A_72 = arith.constant 0 : i32
        %dma_wait3A_73 = tpu.memref_slice %arg5[%add3A_71, %dma_wait3A_72] : memref<16x125xi32, #tpu.memory_space<vmem>> -> memref<1x125xi32, #tpu.memory_space<vmem>>
        %dma_wait3A_74 = tpu.memref_squeeze %dma_wait3A_73 : memref<1x125xi32, #tpu.memory_space<vmem>> -> memref<125xi32, #tpu.memory_space<vmem>>
        %dma_wait3A_75 = arith.constant 0 : i32
        %dma_wait3A_76 = arith.constant 0 : i32
        %dma_wait3A_77 = tpu.memref_slice %arg2[%dma_wait3A_75, %dma_wait3A_76] : memref<10000x128xf32, #tpu.memory_space<hbm>> -> memref<10000x128xf32, #tpu.memory_space<hbm>>
        tpu.wait_indirect_dma semaphore(%arg11 : memref<!tpu.dma_semaphore, #tpu.memory_space<semaphore_mem>>) src(%dma_wait3A_77 : memref<10000x128xf32, #tpu.memory_space<hbm>>) dst(%arg8 : memref<125x128xf32, #tpu.memory_space<vmem>>)
        %mul3A_78 = arith.constant 2 : i32
        %mul3A_79 = arith.muli %mul3A_78, %add3A_53 : i32
        %add3A_80 = arith.constant 1 : i32
        %add3A_81 = arith.addi %mul3A_79, %add3A_80 : i32
        "tpu.region"() ({
          %run_scoped3A_87 = tpu.sem_alloc : memref<!tpu.dma_semaphore, #tpu.memory_space<semaphore_mem>>
          %dma_start3A_88 = arith.constant 0 : i32
          %dma_start3A_89 = tpu.memref_slice %arg6[%add3A_81, %dma_start3A_88] : memref<16x125xi32, #tpu.memory_space<vmem>> -> memref<1x125xi32, #tpu.memory_space<vmem>>
          %dma_start3A_90 = tpu.memref_squeeze %dma_start3A_89 : memref<1x125xi32, #tpu.memory_space<vmem>> -> memref<125xi32, #tpu.memory_space<vmem>>
          %dma_start3A_91 = arith.constant 0 : i32
          %dma_start3A_92 = arith.constant 0 : i32
          %dma_start3A_93 = tpu.memref_slice %arg9[%dma_start3A_91, %dma_start3A_92] : memref<10000x128xf32, #tpu.memory_space<vmem_shared>> -> memref<10000x128xf32, #tpu.memory_space<vmem_shared>>
          tpu.enqueue_indirect_dma source(%arg8 : memref<125x128xf32, #tpu.memory_space<vmem>>) target(%dma_start3A_93 : memref<10000x128xf32, #tpu.memory_space<vmem_shared>>) offsets(%dma_start3A_90 : memref<125xi32, #tpu.memory_space<vmem>>) semaphore(%run_scoped3A_87 : memref<!tpu.dma_semaphore, #tpu.memory_space<semaphore_mem>>) {add = true}
          %dma_wait3A_94 = arith.constant 0 : i32
          %dma_wait3A_95 = tpu.memref_slice %arg6[%add3A_81, %dma_wait3A_94] : memref<16x125xi32, #tpu.memory_space<vmem>> -> memref<1x125xi32, #tpu.memory_space<vmem>>
          %dma_wait3A_96 = tpu.memref_squeeze %dma_wait3A_95 : memref<1x125xi32, #tpu.memory_space<vmem>> -> memref<125xi32, #tpu.memory_space<vmem>>
          %dma_wait3A_97 = arith.constant 0 : i32
          %dma_wait3A_98 = arith.constant 0 : i32
          %dma_wait3A_99 = tpu.memref_slice %arg9[%dma_wait3A_97, %dma_wait3A_98] : memref<10000x128xf32, #tpu.memory_space<vmem_shared>> -> memref<10000x128xf32, #tpu.memory_space<vmem_shared>>
          tpu.wait_indirect_dma semaphore(%run_scoped3A_87 : memref<!tpu.dma_semaphore, #tpu.memory_space<semaphore_mem>>) src(%arg8 : memref<125x128xf32, #tpu.memory_space<vmem>>) dst(%dma_wait3A_99 : memref<10000x128xf32, #tpu.memory_space<vmem_shared>>)
          tpu.yield
        }) : () -> ()
        %lt3A_82 = arith.constant 7 : i32
        %lt3A_83 = arith.cmpi slt, %add3A_53, %lt3A_82 : i32
        %convert_element_type3A_84 = arith.extui %lt3A_83 : i1 to i32
        %cond3A_85 = arith.constant 0 : i32
        %cond3A_86 = arith.cmpi ne, %convert_element_type3A_84, %cond3A_85 : i32
        scf.if %cond3A_86 {
          %mul3A_87 = arith.constant 2 : i32
          %mul3A_88 = arith.muli %mul3A_87, %add3A_53 : i32
          %add3A_89 = arith.constant 3 : i32
          %add3A_90 = arith.addi %mul3A_88, %add3A_89 : i32
          %dma_start3A_91 = arith.constant 0 : i32
          %dma_start3A_92 = tpu.memref_slice %arg5[%add3A_90, %dma_start3A_91] : memref<16x125xi32, #tpu.memory_space<vmem>> -> memref<1x125xi32, #tpu.memory_space<vmem>>
          %dma_start3A_93 = tpu.memref_squeeze %dma_start3A_92 : memref<1x125xi32, #tpu.memory_space<vmem>> -> memref<125xi32, #tpu.memory_space<vmem>>
          %dma_start3A_94 = arith.constant 0 : i32
          %dma_start3A_95 = arith.constant 0 : i32
          %dma_start3A_96 = tpu.memref_slice %arg2[%dma_start3A_94, %dma_start3A_95] : memref<10000x128xf32, #tpu.memory_space<hbm>> -> memref<10000x128xf32, #tpu.memory_space<hbm>>
          tpu.enqueue_indirect_dma source(%dma_start3A_96 : memref<10000x128xf32, #tpu.memory_space<hbm>>) target(%arg8 : memref<125x128xf32, #tpu.memory_space<vmem>>) offsets(%dma_start3A_93 : memref<125xi32, #tpu.memory_space<vmem>>) semaphore(%arg11 : memref<!tpu.dma_semaphore, #tpu.memory_space<semaphore_mem>>)
        } else {
        }
      }
      %scan3A_48 = arith.constant 8 : i32
    }
    %scan3A_29 = arith.constant 5 : i32
    %barrier3A_30 = arith.constant 0 : index
    tpu.barrier barrier_id(%barrier3A_30)
    "tpu.region"() ({
      %run_scoped3A_36 = tpu.sem_alloc : memref<!tpu.dma_semaphore, #tpu.memory_space<semaphore_mem>>
      %dma_start3A_37 = arith.constant 0 : i32
      %dma_start3A_38 = arith.constant 0 : i32
      %dma_start3A_39 = tpu.memref_slice %arg4[%arg0, %dma_start3A_37, %dma_start3A_38] : memref<2x10000x128xf32, #tpu.memory_space<hbm>> -> memref<1x10000x128xf32, #tpu.memory_space<hbm>>
      %dma_start3A_40 = tpu.memref_squeeze %dma_start3A_39 : memref<1x10000x128xf32, #tpu.memory_space<hbm>> -> memref<10000x128xf32, #tpu.memory_space<hbm>>
      %dma_start3A_41 = arith.constant 0 : i32
      %dma_start3A_42 = tpu.memref_slice %dma_start3A_40[%mul3A_0, %dma_start3A_41] : memref<10000x128xf32, #tpu.memory_space<hbm>> -> memref<624x128xf32, #tpu.memory_space<hbm>>
      %dma_start3A_43 = arith.constant 0 : i32
      %dma_start3A_44 = tpu.memref_slice %arg9[%mul3A_0, %dma_start3A_43] : memref<10000x128xf32, #tpu.memory_space<vmem_shared>> -> memref<624x128xf32, #tpu.memory_space<vmem_shared>>
      tpu.enqueue_dma source(%dma_start3A_44 : memref<624x128xf32, #tpu.memory_space<vmem_shared>>) target(%dma_start3A_42 : memref<624x128xf32, #tpu.memory_space<hbm>>) target_semaphore(%run_scoped3A_36 : memref<!tpu.dma_semaphore, #tpu.memory_space<semaphore_mem>>)
      %dma_wait3A_45 = arith.constant 0 : i32
      %dma_wait3A_46 = arith.constant 0 : i32
      %dma_wait3A_47 = tpu.memref_slice %arg4[%arg0, %dma_wait3A_45, %dma_wait3A_46] : memref<2x10000x128xf32, #tpu.memory_space<hbm>> -> memref<1x10000x128xf32, #tpu.memory_space<hbm>>
      %dma_wait3A_48 = tpu.memref_squeeze %dma_wait3A_47 : memref<1x10000x128xf32, #tpu.memory_space<hbm>> -> memref<10000x128xf32, #tpu.memory_space<hbm>>
      %dma_wait3A_49 = arith.constant 0 : i32
      %dma_wait3A_50 = tpu.memref_slice %dma_wait3A_48[%mul3A_0, %dma_wait3A_49] : memref<10000x128xf32, #tpu.memory_space<hbm>> -> memref<624x128xf32, #tpu.memory_space<hbm>>
      %dma_wait3A_51 = arith.constant 0 : i32
      %dma_wait3A_52 = tpu.memref_slice %arg9[%mul3A_0, %dma_wait3A_51] : memref<10000x128xf32, #tpu.memory_space<vmem_shared>> -> memref<624x128xf32, #tpu.memory_space<vmem_shared>>
      tpu.wait_dma2 semaphore(%run_scoped3A_36 : memref<!tpu.dma_semaphore, #tpu.memory_space<semaphore_mem>>) src(%dma_wait3A_52 : memref<624x128xf32, #tpu.memory_space<vmem_shared>>) dst(%dma_wait3A_50 : memref<624x128xf32, #tpu.memory_space<hbm>>)
      tpu.yield
    }) : () -> ()
    %eq3A_31 = arith.constant 0 : i32
    %eq3A_32 = arith.cmpi eq, %arg1, %eq3A_31 : i32
    %convert_element_type3A_33 = arith.extui %eq3A_32 : i1 to i32
    %cond3A_34 = arith.constant 0 : i32
    %cond3A_35 = arith.cmpi ne, %convert_element_type3A_33, %cond3A_34 : i32
    scf.if %cond3A_35 {
      "tpu.region"() ({
        %run_scoped3A_36 = tpu.sem_alloc : memref<!tpu.dma_semaphore, #tpu.memory_space<semaphore_mem>>
        %dma_start3A_37 = arith.constant 0 : i32
        %dma_start3A_38 = arith.constant 0 : i32
        %dma_start3A_39 = tpu.memref_slice %arg4[%arg0, %dma_start3A_37, %dma_start3A_38] : memref<2x10000x128xf32, #tpu.memory_space<hbm>> -> memref<1x10000x128xf32, #tpu.memory_space<hbm>>
        %dma_start3A_40 = tpu.memref_squeeze %dma_start3A_39 : memref<1x10000x128xf32, #tpu.memory_space<hbm>> -> memref<10000x128xf32, #tpu.memory_space<hbm>>
        %dma_start3A_41 = arith.constant 9984 : i32
        %dma_start3A_42 = arith.constant 0 : i32
        %dma_start3A_43 = tpu.memref_slice %dma_start3A_40[%dma_start3A_41, %dma_start3A_42] : memref<10000x128xf32, #tpu.memory_space<hbm>> -> memref<16x128xf32, #tpu.memory_space<hbm>>
        %dma_start3A_44 = arith.constant 9984 : i32
        %dma_start3A_45 = arith.constant 0 : i32
        %dma_start3A_46 = tpu.memref_slice %arg9[%dma_start3A_44, %dma_start3A_45] : memref<10000x128xf32, #tpu.memory_space<vmem_shared>> -> memref<16x128xf32, #tpu.memory_space<vmem_shared>>
        tpu.enqueue_dma source(%dma_start3A_46 : memref<16x128xf32, #tpu.memory_space<vmem_shared>>) target(%dma_start3A_43 : memref<16x128xf32, #tpu.memory_space<hbm>>) target_semaphore(%run_scoped3A_36 : memref<!tpu.dma_semaphore, #tpu.memory_space<semaphore_mem>>)
        %dma_wait3A_47 = arith.constant 0 : i32
        %dma_wait3A_48 = arith.constant 0 : i32
        %dma_wait3A_49 = tpu.memref_slice %arg4[%arg0, %dma_wait3A_47, %dma_wait3A_48] : memref<2x10000x128xf32, #tpu.memory_space<hbm>> -> memref<1x10000x128xf32, #tpu.memory_space<hbm>>
        %dma_wait3A_50 = tpu.memref_squeeze %dma_wait3A_49 : memref<1x10000x128xf32, #tpu.memory_space<hbm>> -> memref<10000x128xf32, #tpu.memory_space<hbm>>
        %dma_wait3A_51 = arith.constant 9984 : i32
        %dma_wait3A_52 = arith.constant 0 : i32
        %dma_wait3A_53 = tpu.memref_slice %dma_wait3A_50[%dma_wait3A_51, %dma_wait3A_52] : memref<10000x128xf32, #tpu.memory_space<hbm>> -> memref<16x128xf32, #tpu.memory_space<hbm>>
        %dma_wait3A_54 = arith.constant 9984 : i32
        %dma_wait3A_55 = arith.constant 0 : i32
        %dma_wait3A_56 = tpu.memref_slice %arg9[%dma_wait3A_54, %dma_wait3A_55] : memref<10000x128xf32, #tpu.memory_space<vmem_shared>> -> memref<16x128xf32, #tpu.memory_space<vmem_shared>>
        tpu.wait_dma2 semaphore(%run_scoped3A_36 : memref<!tpu.dma_semaphore, #tpu.memory_space<semaphore_mem>>) src(%dma_wait3A_56 : memref<16x128xf32, #tpu.memory_space<vmem_shared>>) dst(%dma_wait3A_53 : memref<16x128xf32, #tpu.memory_space<hbm>>)
        tpu.yield
      }) : () -> ()
    } else {
    }
    return
  }
}

module attributes {stable_mosaic.version = 14 : i64} {
  func.func @_mlp_body(%arg0: memref<2x10000x128xf32, #tpu.memory_space<vmem>>, %arg1: memref<10000x128xf32, #tpu.memory_space<vmem>>, %arg2: memref<128x128xf32, #tpu.memory_space<vmem>>, %arg3: memref<1x128xf32, #tpu.memory_space<vmem>>, %arg4: memref<1x128xf32, #tpu.memory_space<vmem>>, %arg5: memref<1x128xf32, #tpu.memory_space<vmem>>, %arg6: memref<128x128xf32, #tpu.memory_space<vmem>>, %arg7: memref<1x128xf32, #tpu.memory_space<vmem>>, %arg8: memref<1x128xf32, #tpu.memory_space<vmem>>, %arg9: memref<1x128xf32, #tpu.memory_space<vmem>>, %arg10: memref<10000x128xf32, #tpu.memory_space<vmem>>) attributes {dimension_semantics = [], scalar_prefetch = 0 : i64, scratch_operands = 0 : i64, tpu.core_type = #tpu.core_type<tc>} {
    %get3A = arith.constant 0 : index
    %get3A_0 = arith.constant 0 : index
    %get3A_1 = arith.constant 0 : index
    %get3A_2 = vector.load %arg0[%get3A, %get3A_0, %get3A_1] : memref<2x10000x128xf32, #tpu.memory_space<vmem>>, vector<1x10000x128xf32>
    %get3A_3 = vector.shape_cast %get3A_2 : vector<1x10000x128xf32> to vector<10000x128xf32>
    %get3A_4 = arith.constant 1 : index
    %get3A_5 = arith.constant 0 : index
    %get3A_6 = arith.constant 0 : index
    %get3A_7 = vector.load %arg0[%get3A_4, %get3A_5, %get3A_6] : memref<2x10000x128xf32, #tpu.memory_space<vmem>>, vector<1x10000x128xf32>
    %get3A_8 = vector.shape_cast %get3A_7 : vector<1x10000x128xf32> to vector<10000x128xf32>
    %add3A = arith.addf %get3A_3, %get3A_8 : vector<10000x128xf32>
    %get3A_9 = arith.constant 0 : index
    %get3A_10 = arith.constant 0 : index
    %get3A_11 = vector.load %arg1[%get3A_9, %get3A_10] : memref<10000x128xf32, #tpu.memory_space<vmem>>, vector<10000x128xf32>
    %sub3A = arith.subf %add3A, %get3A_11 : vector<10000x128xf32>
    %get3A_12 = arith.constant 0 : index
    %get3A_13 = arith.constant 0 : index
    %get3A_14 = vector.load %arg2[%get3A_12, %get3A_13] : memref<128x128xf32, #tpu.memory_space<vmem>>, vector<128x128xf32>
    %dot_general3A = arith.constant dense<0.000000e+00> : vector<10000x128xf32>
    %dot_general3A_15 = tpu.matmul %sub3A, %get3A_14, %dot_general3A {dimension_numbers = #tpu.dot_dimension_numbers<[1], [1], [0], [0], [0, 0, 1, 0], [], []>, transpose_lhs_hint = false} : vector<10000x128xf32>, vector<128x128xf32>, vector<10000x128xf32> -> vector<10000x128xf32>
    %get3A_16 = arith.constant 0 : index
    %get3A_17 = arith.constant 0 : index
    %get3A_18 = vector.load %arg3[%get3A_16, %get3A_17] : memref<1x128xf32, #tpu.memory_space<vmem>>, vector<1x128xf32>
    %add3A_19 = vector.broadcast %get3A_18 : vector<1x128xf32> to vector<10000x128xf32>
    %add3A_20 = arith.addf %dot_general3A_15, %add3A_19 : vector<10000x128xf32>
    %reduce_sum3A = arith.constant dense<0.000000e+00> : vector<128xf32>
    %reduce_sum3A_21 = vector.multi_reduction <add>, %add3A_20, %reduce_sum3A [0] : vector<10000x128xf32> to vector<128xf32>
    %broadcast_in_dim3A = vector.shape_cast %reduce_sum3A_21 : vector<128xf32> to vector<1x128xf32>
    %div3A = arith.constant 1.000000e+04 : f32
    %div3A_22 = vector.broadcast %div3A : f32 to vector<1x128xf32>
    %div3A_23 = arith.divf %broadcast_in_dim3A, %div3A_22 : vector<1x128xf32>
    %sub3A_24 = vector.broadcast %div3A_23 : vector<1x128xf32> to vector<10000x128xf32>
    %sub3A_25 = arith.subf %add3A_20, %sub3A_24 : vector<10000x128xf32>
    %sub3A_26 = vector.broadcast %div3A_23 : vector<1x128xf32> to vector<10000x128xf32>
    %sub3A_27 = arith.subf %add3A_20, %sub3A_26 : vector<10000x128xf32>
    %mul3A = arith.mulf %sub3A_25, %sub3A_27 : vector<10000x128xf32>
    %reduce_sum3A_28 = arith.constant dense<0.000000e+00> : vector<128xf32>
    %reduce_sum3A_29 = vector.multi_reduction <add>, %mul3A, %reduce_sum3A_28 [0] : vector<10000x128xf32> to vector<128xf32>
    %broadcast_in_dim3A_30 = vector.shape_cast %reduce_sum3A_29 : vector<128xf32> to vector<1x128xf32>
    %div3A_31 = arith.constant 1.000000e+04 : f32
    %div3A_32 = vector.broadcast %div3A_31 : f32 to vector<1x128xf32>
    %div3A_33 = arith.divf %broadcast_in_dim3A_30, %div3A_32 : vector<1x128xf32>
    %sub3A_34 = vector.broadcast %div3A_23 : vector<1x128xf32> to vector<10000x128xf32>
    %sub3A_35 = arith.subf %add3A_20, %sub3A_34 : vector<10000x128xf32>
    %add3A_36 = arith.constant 9.99999974E-6 : f32
    %add3A_37 = vector.broadcast %add3A_36 : f32 to vector<1x128xf32>
    %add3A_38 = arith.addf %div3A_33, %add3A_37 : vector<1x128xf32>
    %rsqrt3A = math.rsqrt %add3A_38 : vector<1x128xf32>
    %mul3A_39 = vector.broadcast %rsqrt3A : vector<1x128xf32> to vector<10000x128xf32>
    %mul3A_40 = arith.mulf %sub3A_35, %mul3A_39 : vector<10000x128xf32>
    %get3A_41 = arith.constant 0 : index
    %get3A_42 = arith.constant 0 : index
    %get3A_43 = vector.load %arg4[%get3A_41, %get3A_42] : memref<1x128xf32, #tpu.memory_space<vmem>>, vector<1x128xf32>
    %mul3A_44 = vector.broadcast %get3A_43 : vector<1x128xf32> to vector<10000x128xf32>
    %mul3A_45 = arith.mulf %mul3A_40, %mul3A_44 : vector<10000x128xf32>
    %get3A_46 = arith.constant 0 : index
    %get3A_47 = arith.constant 0 : index
    %get3A_48 = vector.load %arg5[%get3A_46, %get3A_47] : memref<1x128xf32, #tpu.memory_space<vmem>>, vector<1x128xf32>
    %add3A_49 = vector.broadcast %get3A_48 : vector<1x128xf32> to vector<10000x128xf32>
    %add3A_50 = arith.addf %mul3A_45, %add3A_49 : vector<10000x128xf32>
    %max3A = arith.constant 0.000000e+00 : f32
    %max3A_51 = vector.broadcast %max3A : f32 to vector<10000x128xf32>
    %max3A_52 = arith.maximumf %add3A_50, %max3A_51 : vector<10000x128xf32>
    %get3A_53 = arith.constant 0 : index
    %get3A_54 = arith.constant 0 : index
    %get3A_55 = vector.load %arg6[%get3A_53, %get3A_54] : memref<128x128xf32, #tpu.memory_space<vmem>>, vector<128x128xf32>
    %dot_general3A_56 = arith.constant dense<0.000000e+00> : vector<10000x128xf32>
    %dot_general3A_57 = tpu.matmul %max3A_52, %get3A_55, %dot_general3A_56 {dimension_numbers = #tpu.dot_dimension_numbers<[1], [1], [0], [0], [0, 0, 1, 0], [], []>, transpose_lhs_hint = false} : vector<10000x128xf32>, vector<128x128xf32>, vector<10000x128xf32> -> vector<10000x128xf32>
    %get3A_58 = arith.constant 0 : index
    %get3A_59 = arith.constant 0 : index
    %get3A_60 = vector.load %arg7[%get3A_58, %get3A_59] : memref<1x128xf32, #tpu.memory_space<vmem>>, vector<1x128xf32>
    %add3A_61 = vector.broadcast %get3A_60 : vector<1x128xf32> to vector<10000x128xf32>
    %add3A_62 = arith.addf %dot_general3A_57, %add3A_61 : vector<10000x128xf32>
    %reduce_sum3A_63 = arith.constant dense<0.000000e+00> : vector<128xf32>
    %reduce_sum3A_64 = vector.multi_reduction <add>, %add3A_62, %reduce_sum3A_63 [0] : vector<10000x128xf32> to vector<128xf32>
    %broadcast_in_dim3A_65 = vector.shape_cast %reduce_sum3A_64 : vector<128xf32> to vector<1x128xf32>
    %div3A_66 = arith.constant 1.000000e+04 : f32
    %div3A_67 = vector.broadcast %div3A_66 : f32 to vector<1x128xf32>
    %div3A_68 = arith.divf %broadcast_in_dim3A_65, %div3A_67 : vector<1x128xf32>
    %sub3A_69 = vector.broadcast %div3A_68 : vector<1x128xf32> to vector<10000x128xf32>
    %sub3A_70 = arith.subf %add3A_62, %sub3A_69 : vector<10000x128xf32>
    %sub3A_71 = vector.broadcast %div3A_68 : vector<1x128xf32> to vector<10000x128xf32>
    %sub3A_72 = arith.subf %add3A_62, %sub3A_71 : vector<10000x128xf32>
    %mul3A_73 = arith.mulf %sub3A_70, %sub3A_72 : vector<10000x128xf32>
    %reduce_sum3A_74 = arith.constant dense<0.000000e+00> : vector<128xf32>
    %reduce_sum3A_75 = vector.multi_reduction <add>, %mul3A_73, %reduce_sum3A_74 [0] : vector<10000x128xf32> to vector<128xf32>
    %broadcast_in_dim3A_76 = vector.shape_cast %reduce_sum3A_75 : vector<128xf32> to vector<1x128xf32>
    %div3A_77 = arith.constant 1.000000e+04 : f32
    %div3A_78 = vector.broadcast %div3A_77 : f32 to vector<1x128xf32>
    %div3A_79 = arith.divf %broadcast_in_dim3A_76, %div3A_78 : vector<1x128xf32>
    %sub3A_80 = vector.broadcast %div3A_68 : vector<1x128xf32> to vector<10000x128xf32>
    %sub3A_81 = arith.subf %add3A_62, %sub3A_80 : vector<10000x128xf32>
    %add3A_82 = arith.constant 9.99999974E-6 : f32
    %add3A_83 = vector.broadcast %add3A_82 : f32 to vector<1x128xf32>
    %add3A_84 = arith.addf %div3A_79, %add3A_83 : vector<1x128xf32>
    %rsqrt3A_85 = math.rsqrt %add3A_84 : vector<1x128xf32>
    %mul3A_86 = vector.broadcast %rsqrt3A_85 : vector<1x128xf32> to vector<10000x128xf32>
    %mul3A_87 = arith.mulf %sub3A_81, %mul3A_86 : vector<10000x128xf32>
    %get3A_88 = arith.constant 0 : index
    %get3A_89 = arith.constant 0 : index
    %get3A_90 = vector.load %arg8[%get3A_88, %get3A_89] : memref<1x128xf32, #tpu.memory_space<vmem>>, vector<1x128xf32>
    %mul3A_91 = vector.broadcast %get3A_90 : vector<1x128xf32> to vector<10000x128xf32>
    %mul3A_92 = arith.mulf %mul3A_87, %mul3A_91 : vector<10000x128xf32>
    %get3A_93 = arith.constant 0 : index
    %get3A_94 = arith.constant 0 : index
    %get3A_95 = vector.load %arg9[%get3A_93, %get3A_94] : memref<1x128xf32, #tpu.memory_space<vmem>>, vector<1x128xf32>
    %add3A_96 = vector.broadcast %get3A_95 : vector<1x128xf32> to vector<10000x128xf32>
    %add3A_97 = arith.addf %mul3A_92, %add3A_96 : vector<10000x128xf32>
    %max3A_98 = arith.constant 0.000000e+00 : f32
    %max3A_99 = vector.broadcast %max3A_98 : f32 to vector<10000x128xf32>
    %max3A_100 = arith.maximumf %add3A_97, %max3A_99 : vector<10000x128xf32>
    %swap3A = arith.constant 0 : index
    %swap3A_101 = arith.constant 0 : index
    %swap3A_102 = vector.load %arg10[%swap3A, %swap3A_101] : memref<10000x128xf32, #tpu.memory_space<vmem>>, vector<10000x128xf32>
    tpu.vector_store %arg10[%swap3A, %swap3A_101], %max3A_100 {strides = array<i32>} : memref<10000x128xf32, #tpu.memory_space<vmem>>, vector<10000x128xf32>,
    return
  }
}

</mosaic_0001>

<sc_bundles>
// kernel: kernel.4.cloned.1.call-start
scs
__scs_entry_jumppad:
0x0: {  	(pc) =	sbr.rel $0x88, $3  }
0x1: {  	(tag) =	ssettag $0x0;
	lr =	simm.s32 $0x1  }
0x2: {  	[smem:$0x3F97] =	sst lr;
	_ =	strace $0xD0000000  }
0x3: {  	_ = 	snop  }
0x4: {  	_ = 	snop  }
0x5: {  	_ = 	snop  }
0x6: {  	_ = 	snop  }
0x7: {  	_ = 	snop  }
__scs_overlays_trampoline_lowered:
0x8: {  	[smem:$0x3FA6] =	sst s0  }
0x9: {  	[smem:$0x3FA7] =	sst s1  }
0xa: {  	[smem:$0x3FA8] =	sst s2  }
0xb: {  	[smem:$0x3FA9] =	sst s3  }
0xc: {  	[smem:$0x3FAA] =	sst s4  }
0xd: {  	[smem:$0x3FAB] =	sst s5  }
0xe: {  	[smem:$0x3FAC] =	sst s6  }
0xf: {  	[smem:$0x3FAD] =	sst s7  }
0x10: {  	[smem:$0x3FAE] =	sst s8  }
0x11: {  	[smem:$0x3FAF] =	sst s9;
	s0 =	simm.s32 @!p0 $0x0  }
0x12: {  	s1 =	sld [smem:$0x3F95];
	s0 =	simm.s32 @p0 $0x1  }
0x13: {  	[smem:$0x3FB0] =	sst s0;
	s0 =	simm.s32 @!p1 $0x0  }
0x14: {  	s2 =	sld [smem:$0x3F94];
	s0 =	simm.s32 @p1 $0x1  }
0x15: {  	[smem:$0x3FB1] =	sst s0;
	s0 =	simm.s32 @!p2 $0x0  }
0x16: {  	s3 =	sld [smem:$0x3FDB];
	s0 =	simm.s32 @p2 $0x1  }
0x17: {  	s4 =	simm.s32 $0x1BF5;
	[smem:$0x3FB3] =	sst s0  }
0x18: {  	s0 =	sld [smem:$0x3F96];
	_ =	swait.ge [sflag:s4], $0x0  }
0x19: {  	s7 =	sld [smem:$0x3F97]  }
0x1a: {  	s8 =	sadd.s32 $0xFFFFE003, lr  }
0x1b: {  	s9 =	sadd.s32 $0xFFFFFEF7, lr;
	s5 =	simm.s32 $0xFFFFFFFF;
	p2 =	slt.u32 s8, $0xFFFFF086  }
0x1c: {  	p1 =	slt.u32 s9, $0xF7A;
	s5 =	simm.s32 @!p2 $0x0  }
0x1d: {  	s5 =	simm.s32 @p1 $0x1;
	p0 =	seq.s32 s7, s2  }
0x1e: {  	s7 =	smul.u32 @!p0 $0xF7A, s2;
	p2 =	seq.s32 @!p0 s5, $0x0  }
0x1f: {  	s9 =	smul.u32 $0xF7A, s1;
	s8 =	simm.s32 @!p0 $0x1BF5;
	p2 =	por !p2, p0  }
0x20: {  	[sflag:s8] =	ssyncset.s32 @!p0 $0xFFFFF086;
	s6 =	sadd.s32 @!p0 s3, s7;
	s7 =	simm.s32 @!p0 $0x108  }
0x21: {  	s3 =	sadd.s32 s3, s9;
	s6 =	sadd.s32 @!p0 $0x88, s6;
	s7 =	simm.s32 @p2 $0x1082  }
0x22: {  	[simem:s7], [sflag:s8] =	dma.local @!p0 [hbm:s6], $0xF7A  }
0x23: {  	s9 =	sor.u32 $0xD0000000, s2;
	s6 =	simm.s32 $0x108;
	_ =	swait.ge @!p0 [sflag:s8], $0x0  }
0x24: {  	s3 =	sadd.s32 $0x88, s3;
	s6 =	simm.s32 @!p1 $0x1082;
	[sflag:s4] =	ssyncset.s32 $0xFFFFF086  }
0x25: {  	[simem:s6], [sflag:s4] =	dma.local [hbm:s3], $0xF7A  }
0x26: {  	[smem:$0x3F97] =	sst s1;
	(tag) =	ssettag s2;
	_ =	strace s9  }
0x27: {  	s1 =	sld [smem:$0x3FA7]  }
0x28: {  	s2 =	sld [smem:$0x3FA8]  }
0x29: {  	s4 =	sld [smem:$0x3FAA]  }
0x2a: {  	p0 =	seq.s32 s5, $0x0;
	s5 =	sld [smem:$0x3FAB]  }
0x2b: {  	s6 =	sld [smem:$0x3FAC]  }
0x2c: {  	s7 =	sld [smem:$0x3FAD]  }
0x2d: {  	s3 =	simm.s32 $0x108;
	s8 =	sld [smem:$0x3FAE]  }
0x2e: {  	s3 =	simm.s32 @!p0 $0x1082;
	s9 =	sld [smem:$0x3FAF]  }
0x2f: {  	lr =	sadd.s32 s0, s3;
	s0 =	sld [smem:$0x3FA6]  }
0x30: {  	s3 =	sld [smem:$0x3FA9]  }
0x31: {  	[smem:$0x3FB2] =	sst s10  }
0x32: {  	s10 =	sld [smem:$0x3FB0];
	_ =	sdelay $0x3  }
0x33: {  	p0 =	seq.s32 s10, $0x1;
	s10 =	sld [smem:$0x3FB2];
	_ =	sdelay $0x3  }
0x34: {  	[smem:$0x3FB2] =	sst s10  }
0x35: {  	s10 =	sld [smem:$0x3FB1];
	_ =	sdelay $0x3  }
0x36: {  	p1 =	seq.s32 s10, $0x1;
	s10 =	sld [smem:$0x3FB2];
	_ =	sdelay $0x3  }
0x37: {  	[smem:$0x3FB2] =	sst s10  }
0x38: {  	s10 =	sld [smem:$0x3FB3]  }
0x39: {  	_ = 	snop;
	(pc) =	sbr.ind lr, $3  }
0x3a: {  	_ = 	snop  }
0x3b: {  	_ = 	snop  }
0x3c: {  	p2 =	seq.s32 s10, $0x1;
	s10 =	sld [smem:$0x3FB2]  }
0x3d: {  	_ =	shalt  }
0x3e: {  	_ =	shalt  }
0x3f: {  	_ =	shalt  }
0x40: {  	_ =	shalt  }
0x41: {  	_ =	shalt  }
0x42: {  	_ =	shalt  }
0x43: {  	_ =	shalt  }
0x44: {  	_ =	shalt  }
0x45: {  	_ =	shalt  }
0x46: {  	_ =	shalt  }
0x47: {  	_ =	shalt  }
0x48: {  	_ =	shalt  }
0x49: {  	_ =	shalt  }
0x4a: {  	_ =	shalt  }
0x4b: {  	_ =	shalt  }
0x4c: {  	_ =	shalt  }
0x4d: {  	_ =	shalt  }
0x4e: {  	_ =	shalt  }
0x4f: {  	_ =	shalt  }
0x50: {  	_ =	shalt  }
0x51: {  	_ =	shalt  }
0x52: {  	_ =	shalt  }
0x53: {  	_ =	shalt  }
0x54: {  	_ =	shalt  }
0x55: {  	_ =	shalt  }
0x56: {  	_ =	shalt  }
0x57: {  	_ =	shalt  }
0x58: {  	_ =	shalt  }
0x59: {  	_ =	shalt  }
0x5a: {  	_ =	shalt  }
0x5b: {  	_ =	shalt  }
0x5c: {  	_ =	shalt  }
0x5d: {  	_ =	shalt  }
0x5e: {  	_ =	shalt  }
0x5f: {  	_ =	shalt  }
0x60: {  	_ =	shalt  }
0x61: {  	_ =	shalt  }
0x62: {  	_ =	shalt  }
0x63: {  	_ =	shalt  }
0x64: {  	_ =	shalt  }
0x65: {  	_ =	shalt  }
0x66: {  	_ =	shalt  }
0x67: {  	_ =	shalt  }
0x68: {  	_ =	shalt  }
0x69: {  	_ =	shalt  }
0x6a: {  	_ =	shalt  }
0x6b: {  	_ =	shalt  }
0x6c: {  	_ =	shalt  }
0x6d: {  	_ =	shalt  }
0x6e: {  	_ =	shalt  }
0x6f: {  	_ =	shalt  }
0x70: {  	_ =	shalt  }
0x71: {  	_ =	shalt  }
0x72: {  	_ =	shalt  }
0x73: {  	_ =	shalt  }
0x74: {  	_ =	shalt  }
0x75: {  	_ =	shalt  }
0x76: {  	_ =	shalt  }
0x77: {  	_ =	shalt  }
0x78: {  	_ =	shalt  }
0x79: {  	_ =	shalt  }
0x7a: {  	_ =	shalt  }
0x7b: {  	_ =	shalt  }
0x7c: {  	_ =	shalt  }
0x7d: {  	_ =	shalt  }
0x7e: {  	_ =	shalt  }
0x7f: {  	_ =	shalt  }
0x80: {  	_ =	shalt  }
0x81: {  	_ =	shalt  }
0x82: {  	_ =	shalt  }
0x83: {  	_ =	shalt  }
0x84: {  	_ =	shalt  }
0x85: {  	_ =	shalt  }
0x86: {  	_ =	shalt  }
0x87: {  	_ =	shalt  }
.Lfunc_end0:
.L_simem_size_0:
called_computation_lowered:
.L_overlay_start_0:
0x88: {  	s2 =	sld [smem:$0x3FD9]  }
0x89: {  	s3 =	sld [smem:$0x3FFE];
	_ =	sdelay $0x1  }
0x8a: {  	s1 =	srdreg.scid  }
0x8b: {  	s0 =	sand.u32 $0x1, s1  }
0x8c: {  	s17 =	sshll.u32 s0, $0xA;
	s2 =	sadd.s32 s3, s2  }
0x8d: {  	s2 =	sadd.s32 s2, s17  }
0x8e: {  	[smem:$0x3FBE] =	sst s2  }
0x8f: {  	_ = 	snop  }
0x90: {  	s2 =	sld [smem:$0x3FC9]  }
0x91: {  	s18 =	sld [smem:$0x3FD0];
	(tm) =	ssettm $0x1  }
0x92: {  	s4 =	sld [smem:$0x3FFB];
	_ =	sdelay $0x3  }
0x93: {  	_ =	strace s4  }
0x94: {  	s4 =	sld [smem:$0x3FFC];
	_ =	sdelay $0x3  }
0x95: {  	_ =	strace s4  }
0x96: {  	s4 =	sld [smem:$0x3FFD];
	_ =	sdelay $0x3  }
0x97: {  	_ =	strace s4  }
0x98: {  	_ =	strace $0x8FFFFFFF  }
0x99: {  	s19 =	sld [smem:$0x3FDB];
	_ =	sdelay $0x1  }
0x9a: {  	s5 =	simm.s32 $_scs_section_size  }
0x9b: {  	s6 =	simm.s32 $_size__tile_overlayer_lowered;
	s7 =	simm.s32 $_tile_overlayer_lowered  }
0x9c: {  	s22 =	simm.s32 $0x1BFF;
	s21 =	sshll.u32 s7, $0x1;
	s4 =	sadd.s32 s5, s19  }
0x9d: {  	s8 =	simm.s32 $0x0;
	s20 =	sshll.u32 s6, $0x1;
	s6 =	sadd.s32 s21, s4  }
0x9e: {  	[timem:s8], [sflag:s22] =	dma.local [hbm:s6], s20  }
0x9f: {  	_ =	swait.ge [sflag:s22], s20  }
0xa0: {  	s5 =	ssub.s32 $0x0, s20;
	[sflag:s22] =	ssyncset.done $0x0  }
0xa1: {  	[sflag:s22] =	ssyncadd.s32 s5;
	_ =	sdelay $0x1  }
0xa2: {  	s23 =	simm.s32 $0x1B8B  }
0xa3: {  	_ =	swait.ge [sflag:s23], $0x1  }
0xa4: {  	[sflag:s23] =	ssyncset.done $0x0  }
0xa5: {  	s25 =	simm.s32 $0x1B8E;
	s24 =	sld [smem:$0x3FFE];
	[sflag:s23] =	ssyncadd.s32 $0xFFFFFFFF  }
0xa6: {  	s26 =	simm.s32 $execute0_lowered;
	[smem:$0x3FD2] =	sst s25  }
0xa7: {  	s6 =	sshll.u32 s26, $0x1;
	_ =	strace $0x80000046;
	[dreg:$0x1] =	wrdreg $0xFFFFFFFF  }
0xa8: {  	s28 =	simm.s32 $_size_execute0_lowered;
	s4 =	sadd.s32 s4, s6;
	[dreg:$0x0] =	wrdreg $0x0  }
0xa9: {  	s6 =	sshll.u32 s28, $0x1;
	[dreg:$0x2] =	wrdreg s4  }
0xaa: {  	[dreg:$0x3] =	wrdreg s6  }
0xab: {  	[dreg:$0x4] =	wrdreg $0xC0  }
0xac: {  	_ =	task [dreg:s8], $0x5FFFF  }
0xad: {  	[dreg:$0x1] =	wrdreg $0xFFFFFFFF  }
0xae: {  	[dreg:$0x0] =	wrdreg $0x60  }
0xaf: {  	[dreg:$0x2] =	wrdreg s2  }
0xb0: {  	[dreg:$0x3] =	wrdreg s18  }
0xb1: {  	[dreg:$0x4] =	wrdreg s24  }
0xb2: {  	[dreg:$0x5] =	wrdreg $0x90000  }
0xb3: {  	[dreg:$0x6] =	wrdreg $0x9  }
0xb4: {  	_ =	task.clear_ibuf [dreg:s8], $0x7FFFF;
	_ =	strace $0x90000046  }
0xb5: {  	s29 =	simm.s32 $0x9;
	_ =	strace $0x80000048  }
0xb6: {  	_ =	swait.ge [sflag:s29], $0x1  }
0xb7: {  	[sflag:s29] =	ssyncadd.s32 $0xFFFFFFFF  }
0xb8: {  	_ =	strace $0x90000048  }
0xb9: {  	_ =	sfence  }
0xba: {  	s30 =	sld [smem:$0x0];
	_ =	sdelay $0x2  }
0xbb: {  	s31 =	sshll.u32 s1, $0xD;
	s1 =	sshrl.u32 s1, $0x2  }
0xbc: {  	s3 =	sand.u32 $0x4000, s31;
	s1 =	sadd.s32 s1, s30  }
0xbd: {  	s0 =	sor.u32 s3, s0;
	s1 =	sshll.u32 s1, $0x11  }
0xbe: {  	s0 =	sor.u32 s1, s0  }
0xbf: {  	s0 =	sadd.s32 $0x8F2B, s0  }
0xc0: {  	[sflag:s0] =	ssyncadd.remote.s32 $0x1  }
0xc1: {  	_ =	sfence.sel $0xFFFF  }
0xc2: {  	[dreg:$0x0] =	wrdreg $0xFFFFFFFF;
	(pc) =	sbr.abs _section_cstart, $3  }
0xc3: {  	[dreg:$0x1] =	wrdreg $0xFFFFFFFF  }
0xc4: {  	_ =	task.clear_ibuf [dreg:s8], $0x2FFFF;
	_ =	strace $0x9FFFFFFF  }
0xc5: {  	(tm) =	ssettm $0x7FFFFFFF  }
tec
execute0_lowered:
.L_overlay_start_1:
0x0: {  	(tag) =	ssettag $0x1  }
0x1: {  	s0 =	rddreg [dreg:$0x0]  }
0x2: {  	s1 =	rddreg [dreg:$0x1]  }
0x3: {  	s4 =	rddreg [dreg:$0x2];
	s3 =	srdreg.scid  }
0x4: {  	s2 =	rddreg [dreg:$0x3];
	s11 =	simm.s32 $0x0;
	s7 =	stileid.u32  }
0x5: {  	s19 =	simm.s32 $0x100;
	s20 =	simm.s32 $0x880;
	s22 =	simm.s32 $0x180  }
0x6: {  	s24 =	simm.s32 $0x900;
	s26 =	simm.s32 $0x200;
	s28 =	simm.s32 $0x680  }
0x7: {  	s29 =	simm.s32 $0xE00;
	s30 =	simm.s32 $0x700;
	[smem:$0x7FF] =	sst s11  }
0x8: {  	s21 =	sadd.s32 $0x27000, s0;
	_ =	strace $0x80000047;
	[dreg:$0x5] =	wrdreg s19  }
0x9: {  	s31 =	simm.s32 $0xE80;
	s9 =	smul.u32 $0x2800, s7;
	[dreg:$0x1a] =	wrdreg s21  }
0xa: {  	s5 =	sand.u32 $0x1, s3;
	s14 =	smul.u32 $0x4E000, s7;
	[dreg:$0x6] =	wrdreg s20  }
0xb: {  	s17 =	smul.u32 $0x2700, s7;
	p0 =	sne.s32 s7, $0x0;
	[dreg:$0x7] =	wrdreg s22  }
0xc: {  	s11 =	simm.s32 $0x4;
	s6 =	smul.u32 $0x27100, s5;
	[dreg:$0x8] =	wrdreg s24  }
0xd: {  	s8 =	smul.u32 $0x28000, s5;
	s5 =	ssub.s32 $0x2, s5;
	[dreg:$0x9] =	wrdreg s26  }
0xe: {  	s19 =	sshll.u32 s7, $0x6;
	s20 =	simm.s32 $0x400;
	[dreg:$0x18] =	wrdreg s17  }
0xf: {  	s21 =	simm.s32 $0xB80;
	s22 =	simm.s32 $0x480;
	[dreg:$0x1d] =	wrdreg s19  }
0x10: {  	s24 =	simm.s32 $0x500;
	s26 =	simm.s32 $0x580;
	[dreg:$0x11] =	wrdreg s20  }
0x11: {  	s7 =	simm.s32 $0xF80;
	s12 =	sshrl.u32 s5, $0x1;
	[dreg:$0x12] =	wrdreg s21  }
0x12: {  	s18 =	sshrl.u32 s14, $0x2;
	s3 =	sadd.s32 s0, s17;
	[dreg:$0x13] =	wrdreg s22  }
0x13: {  	s14 =	simm.s32 $0x1000;
	s17 =	simm.s32 $0x380;
	[dreg:$0x15] =	wrdreg s24  }
0x14: {  	s22 =	simm.s32 $0x1;
	[dreg:$0x17] =	wrdreg s26;
	s24 =	simm.s32 $0xD00  }
0x15: {  	s26 =	simm.s32 $0xD80;
	s4 =	sadd.s32 s6, s4;
	[dreg:$0x19] =	wrdreg s3  }
0x16: {  	s8 =	sadd.s32 s9, s8;
	s3 =	simm.s32 $0x980;
	[dreg:$0xf] =	wrdreg s17  }
0x17: {  	s10 =	ssub.s32 s5, s12;
	s9 =	simm.s32 $0xA00;
	[dreg:$0xa] =	wrdreg s3  }
0x18: {  	s12 =	simm.s32 $0x800;
	s23 =	sadd.s32 $0x1E00, s4;
	[dreg:$0xc] =	wrdreg s9  }
0x19: {  	s13 =	sadd.s32 $0x50000, s8;
	s25 =	smax.u32 s10, $0x1;
	[dreg:$0x1b] =	wrdreg s23  }
0x1a: {  	s15 =	sshrl.u32 s8, $0x3;
	s8 =	simm.s32 $0x280;
	[dreg:$0x1c] =	wrdreg s25  }
0x1b: {  	s10 =	simm.s32 $0x300;
	s3 =	sor.u32 $0x1C03, s19;
	[dreg:$0xb] =	wrdreg s8  }
0x1c: {  	s16 =	sshrl.u32 s13, $0x3;
	s5 =	sadd.s32 s1, s15;
	[dreg:$0xd] =	wrdreg s10  }
0x1d: {  	s15 =	sadd.s32 $0x138000, s2;
	s13 =	simm.s32 $0x7D;
	[dreg:$0x1e] =	wrdreg s3  }
0x1e: {  	s23 =	simm.s32 $0xC00;
	s25 =	simm.s32 $0xC80;
	s8 =	simm.s32 $0x0  }
0x1f: {  	s6 =	sadd.s32 s1, s16;
	s1 =	sadd.s32 s18, s2;
	s16 =	simm.s32 $0xA80  }
0x20: {  	s18 =	simm.s32 $0xB00;
	s20 =	sshrl.u32 @!p0 s15, $0x3;
	[dreg:$0x14] =	wrdreg s23  }
0x21: {  	s23 =	simm.s32 $0x2;
	[dreg:$0x16] =	wrdreg s25;
	s25 =	simm.s32 $0x600  }
0x22: {  	s15 =	simm.s32 $0xF00;
	[dreg:$0xe] =	wrdreg s16;
	s16 =	simm.s32 $0x5000  }
0x23: {  	[dreg:$0x10] =	wrdreg s18;
	s19 =	sshrl.u32 s1, $0x3;
	s1 =	simm.s32 $0x780  }
.LBB2_1:
0x24: {  	s3 =	simm.s32 $0x0  }
0x25: {  	[tilespmem:s3], [sflag:$0x4] =	stream.linear.gather [hbm4b:s5+s3], $0x800, $0x38;
	[tilespmem:$0x1C880] =	vst v63  }
0x26: {  	_ =	swait.ge [sflag:s11], $0x800  }
0x27: {  	[sflag:s11] =	ssyncset.done $0x0  }
0x28: {  	[sflag:s11] =	ssyncadd.s32 $0xFFFFF800  }
0x29: {  	[tilespmem:s12], [sflag:$0x4] =	stream.linear.gather [hbm4b:s6+s3], $0x800, $0x38;
	[tilespmem:$0x1C880] =	vst v63  }
0x2a: {  	_ =	swait.ge [sflag:s11], $0x800  }
0x2b: {  	[sflag:s11] =	ssyncset.done $0x0  }
0x2c: {  	s17 =	rddreg [dreg:$0x19];
	[sflag:s11] =	ssyncadd.s32 $0xFFFFF800  }
0x2d: {  	[tilespmem:s14], [sflag:$0x1] =	stream.indirect.gather [hbm4b:s0+s13], $0x80, s3, s13, $0xb8;
	[tilespmem:$0x1C880] =	vst v63  }
0x2e: {  	s10 =	simm.s32 $0x80;
	s4 =	rddreg [dreg:$0x1e]  }
0x2f: {  	[tilespmem:s16], [sflag:$0x2] =	stream.indirect.gather [hbm4b:s0+s13], $0x80, s10, s13, $0xb8;
	[tilespmem:$0x1C880] =	vst v63  }
0x30: {  	[spmem:s19], [sflag:s4] =	dma.local [hbm:s17], $0x2700  }
0x31: {  	s4 =	simm.s32 @!p0 $0x1C04;
	s3 =	rddreg [dreg:$0x1a]  }
0x32: {  	[spmem:s20], [sflag:s4] =	dma.local @!p0 [hbm:s3], $0x100  }
0x33: {  	s4 =	simm.s32 @!p0 $0x4  }
0x34: {  	_ =	swait.ge @!p0 [sflag:s4], $0x100  }
0x35: {  	[sflag:s4] =	ssyncset.done @!p0 $0x0  }
0x36: {  	s18 =	simm.s32 $0x3;
	[sflag:s4] =	ssyncadd.s32 @!p0 $0xFFFFFF00  }
0x37: {  	_ =	swait.ge [sflag:s18], $0x2700  }
0x38: {  	p1 =	por $0x1, $0x1;
	[sflag:s18] =	ssyncset.done $0x0  }
0x39: {  	s10 =	simm.s32 @!p1 $0x0;
	[sflag:s18] =	ssyncadd.s32 $0xFFFFD900  }
0x3a: {  	s4 =	sadd.s32 @!p1 $0x0, s5;
	s18 =	simm.s32 @!p1 $0x4;
	[bflag:$0x0] =	sbarrier.arrive $0xFFFF  }
0x3b: {  	[tilespmem:s10], [sflag:$0x4] =	stream.linear.gather @!p1 [hbm4b:s4+s10], $0x800, $0x38;
	[tilespmem:$0x1C880] =	vst v63  }
0x3c: {  	_ =	swait.ge @!p1 [sflag:s18], $0x800  }
0x3d: {  	[sflag:s18] =	ssyncset.done @!p1 $0x0  }
0x3e: {  	s17 =	simm.s32 @!p1 $0x800;
	s4 =	sadd.s32 @!p1 $0x0, s6;
	[sflag:s18] =	ssyncadd.s32 @!p1 $0xFFFFF800  }
0x3f: {  	[tilespmem:s17], [sflag:$0x4] =	stream.linear.gather @!p1 [hbm4b:s4+s10], $0x800, $0x38;
	[tilespmem:$0x1C880] =	vst v63  }
0x40: {  	_ =	swait.ge @!p1 [sflag:s18], $0x800  }
0x41: {  	[sflag:s18] =	ssyncset.done @!p1 $0x0  }
0x42: {  	s4 =	simm.s32 @!p1 $0x7D;
	s17 =	simm.s32 @!p1 $0x1000;
	[sflag:s18] =	ssyncadd.s32 @!p1 $0xFFFFF800  }
0x43: {  	[tilespmem:s17], [sflag:$0x1] =	stream.indirect.gather @!p1 [hbm4b:s0+s4], $0x80, s10, s4, $0xb8;
	[tilespmem:$0x1C880] =	vst v63  }
0x44: {  	s10 =	simm.s32 @!p1 $0x80;
	s17 =	simm.s32 @!p1 $0x5000  }
0x45: {  	[tilespmem:s17], [sflag:$0x2] =	stream.indirect.gather @!p1 [hbm4b:s0+s4], $0x80, s10, s4, $0xb8;
	[tilespmem:$0x1C880] =	vst v63  }
0x46: {  	_ =	swait.ge [sflag:s22], $0x3E80  }
0x47: {  	[sflag:s22] =	ssyncset.done $0x0  }
0x48: {  	[sflag:s22] =	ssyncadd.s32 $0xFFFFC180  }
0x49: {  	[spmem:s2] =	stream.indirect.scatter.add.f32 [tilespmem:s14], [sflag:$0x4], $0x80, s12, s13, $0xb8;
	[tilespmem:$0x1C880] =	vst v63  }
0x4a: {  	_ =	swait.ge [sflag:s11], $0x3E80  }
0x4b: {  	[sflag:s11] =	ssyncset.done $0x0  }
0x4c: {  	s21 =	rddreg [dreg:$0x5];
	[sflag:s11] =	ssyncadd.s32 $0xFFFFC180  }
0x4d: {  	[tilespmem:s14], [sflag:$0x1] =	stream.indirect.gather [hbm4b:s0+s13], $0x80, s21, s13, $0xb8;
	[tilespmem:$0x1C880] =	vst v63  }
0x4e: {  	_ =	swait.ge [sflag:s23], $0x3E80  }
0x4f: {  	[sflag:s23] =	ssyncset.done $0x0  }
0x50: {  	s3 =	rddreg [dreg:$0x6];
	[sflag:s23] =	ssyncadd.s32 $0xFFFFC180  }
0x51: {  	[spmem:s2] =	stream.indirect.scatter.add.f32 [tilespmem:s16], [sflag:$0x4], $0x80, s3, s13, $0xb8;
	[tilespmem:$0x1C880] =	vst v63  }
0x52: {  	_ =	swait.ge [sflag:s11], $0x3E80  }
0x53: {  	[sflag:s11] =	ssyncset.done $0x0  }
0x54: {  	s9 =	rddreg [dreg:$0x7];
	[sflag:s11] =	ssyncadd.s32 $0xFFFFC180  }
0x55: {  	[tilespmem:s16], [sflag:$0x2] =	stream.indirect.gather [hbm4b:s0+s13], $0x80, s9, s13, $0xb8;
	[tilespmem:$0x1C880] =	vst v63  }
0x56: {  	_ =	swait.ge [sflag:s22], $0x3E80  }
0x57: {  	[sflag:s22] =	ssyncset.done $0x0  }
0x58: {  	s10 =	rddreg [dreg:$0x8];
	[sflag:s22] =	ssyncadd.s32 $0xFFFFC180  }
0x59: {  	[spmem:s2] =	stream.indirect.scatter.add.f32 [tilespmem:s14], [sflag:$0x4], $0x80, s10, s13, $0xb8;
	[tilespmem:$0x1C880] =	vst v63  }
0x5a: {  	_ =	swait.ge [sflag:s11], $0x3E80  }
0x5b: {  	[sflag:s11] =	ssyncset.done $0x0  }
0x5c: {  	s17 =	rddreg [dreg:$0x9];
	[sflag:s11] =	ssyncadd.s32 $0xFFFFC180  }
0x5d: {  	[tilespmem:s14], [sflag:$0x1] =	stream.indirect.gather [hbm4b:s0+s13], $0x80, s17, s13, $0xb8;
	[tilespmem:$0x1C880] =	vst v63  }
0x5e: {  	_ =	swait.ge [sflag:s23], $0x3E80  }
0x5f: {  	[sflag:s23] =	ssyncset.done $0x0  }
0x60: {  	s18 =	rddreg [dreg:$0xa];
	[sflag:s23] =	ssyncadd.s32 $0xFFFFC180  }
0x61: {  	[spmem:s2] =	stream.indirect.scatter.add.f32 [tilespmem:s16], [sflag:$0x4], $0x80, s18, s13, $0xb8;
	[tilespmem:$0x1C880] =	vst v63  }
0x62: {  	_ =	swait.ge [sflag:s11], $0x3E80  }
0x63: {  	[sflag:s11] =	ssyncset.done $0x0  }
0x64: {  	s21 =	rddreg [dreg:$0xb];
	[sflag:s11] =	ssyncadd.s32 $0xFFFFC180  }
0x65: {  	[tilespmem:s16], [sflag:$0x2] =	stream.indirect.gather [hbm4b:s0+s13], $0x80, s21, s13, $0xb8;
	[tilespmem:$0x1C880] =	vst v63  }
0x66: {  	_ =	swait.ge [sflag:s22], $0x3E80  }
0x67: {  	[sflag:s22] =	ssyncset.done $0x0  }
0x68: {  	s3 =	rddreg [dreg:$0xc];
	[sflag:s22] =	ssyncadd.s32 $0xFFFFC180  }
0x69: {  	[spmem:s2] =	stream.indirect.scatter.add.f32 [tilespmem:s14], [sflag:$0x4], $0x80, s3, s13, $0xb8;
	[tilespmem:$0x1C880] =	vst v63  }
0x6a: {  	_ =	swait.ge [sflag:s11], $0x3E80  }
0x6b: {  	[sflag:s11] =	ssyncset.done $0x0  }
0x6c: {  	s9 =	rddreg [dreg:$0xd];
	[sflag:s11] =	ssyncadd.s32 $0xFFFFC180  }
0x6d: {  	[tilespmem:s14], [sflag:$0x1] =	stream.indirect.gather [hbm4b:s0+s13], $0x80, s9, s13, $0xb8;
	[tilespmem:$0x1C880] =	vst v63  }
0x6e: {  	_ =	swait.ge [sflag:s23], $0x3E80  }
0x6f: {  	[sflag:s23] =	ssyncset.done $0x0  }
0x70: {  	s10 =	rddreg [dreg:$0xe];
	[sflag:s23] =	ssyncadd.s32 $0xFFFFC180  }
0x71: {  	[spmem:s2] =	stream.indirect.scatter.add.f32 [tilespmem:s16], [sflag:$0x4], $0x80, s10, s13, $0xb8;
	[tilespmem:$0x1C880] =	vst v63  }
0x72: {  	_ =	swait.ge [sflag:s11], $0x3E80  }
0x73: {  	[sflag:s11] =	ssyncset.done $0x0  }
0x74: {  	s17 =	rddreg [dreg:$0xf];
	[sflag:s11] =	ssyncadd.s32 $0xFFFFC180  }
0x75: {  	[tilespmem:s16], [sflag:$0x2] =	stream.indirect.gather [hbm4b:s0+s13], $0x80, s17, s13, $0xb8;
	[tilespmem:$0x1C880] =	vst v63  }
0x76: {  	_ =	swait.ge [sflag:s22], $0x3E80  }
0x77: {  	[sflag:s22] =	ssyncset.done $0x0  }
0x78: {  	s18 =	rddreg [dreg:$0x10];
	[sflag:s22] =	ssyncadd.s32 $0xFFFFC180  }
0x79: {  	[spmem:s2] =	stream.indirect.scatter.add.f32 [tilespmem:s14], [sflag:$0x4], $0x80, s18, s13, $0xb8;
	[tilespmem:$0x1C880] =	vst v63  }
0x7a: {  	_ =	swait.ge [sflag:s11], $0x3E80  }
0x7b: {  	[sflag:s11] =	ssyncset.done $0x0  }
0x7c: {  	s21 =	rddreg [dreg:$0x11];
	[sflag:s11] =	ssyncadd.s32 $0xFFFFC180  }
0x7d: {  	[tilespmem:s14], [sflag:$0x1] =	stream.indirect.gather [hbm4b:s0+s13], $0x80, s21, s13, $0xb8;
	[tilespmem:$0x1C880] =	vst v63  }
0x7e: {  	_ =	swait.ge [sflag:s23], $0x3E80  }
0x7f: {  	[sflag:s23] =	ssyncset.done $0x0  }
0x80: {  	s3 =	rddreg [dreg:$0x12];
	[sflag:s23] =	ssyncadd.s32 $0xFFFFC180  }
0x81: {  	[spmem:s2] =	stream.indirect.scatter.add.f32 [tilespmem:s16], [sflag:$0x4], $0x80, s3, s13, $0xb8;
	[tilespmem:$0x1C880] =	vst v63  }
0x82: {  	_ =	swait.ge [sflag:s11], $0x3E80  }
0x83: {  	[sflag:s11] =	ssyncset.done $0x0  }
0x84: {  	s9 =	rddreg [dreg:$0x13];
	[sflag:s11] =	ssyncadd.s32 $0xFFFFC180  }
0x85: {  	[tilespmem:s16], [sflag:$0x2] =	stream.indirect.gather [hbm4b:s0+s13], $0x80, s9, s13, $0xb8;
	[tilespmem:$0x1C880] =	vst v63  }
0x86: {  	_ =	swait.ge [sflag:s22], $0x3E80  }
0x87: {  	[sflag:s22] =	ssyncset.done $0x0  }
0x88: {  	s10 =	rddreg [dreg:$0x14];
	[sflag:s22] =	ssyncadd.s32 $0xFFFFC180  }
0x89: {  	[spmem:s2] =	stream.indirect.scatter.add.f32 [tilespmem:s14], [sflag:$0x4], $0x80, s10, s13, $0xb8;
	[tilespmem:$0x1C880] =	vst v63  }
0x8a: {  	_ =	swait.ge [sflag:s11], $0x3E80  }
0x8b: {  	[sflag:s11] =	ssyncset.done $0x0  }
0x8c: {  	s17 =	rddreg [dreg:$0x15];
	[sflag:s11] =	ssyncadd.s32 $0xFFFFC180  }
0x8d: {  	[tilespmem:s14], [sflag:$0x1] =	stream.indirect.gather [hbm4b:s0+s13], $0x80, s17, s13, $0xb8;
	[tilespmem:$0x1C880] =	vst v63  }
0x8e: {  	_ =	swait.ge [sflag:s23], $0x3E80  }
0x8f: {  	[sflag:s23] =	ssyncset.done $0x0  }
0x90: {  	s18 =	rddreg [dreg:$0x16];
	[sflag:s23] =	ssyncadd.s32 $0xFFFFC180  }
0x91: {  	[spmem:s2] =	stream.indirect.scatter.add.f32 [tilespmem:s16], [sflag:$0x4], $0x80, s18, s13, $0xb8;
	[tilespmem:$0x1C880] =	vst v63  }
0x92: {  	_ =	swait.ge [sflag:s11], $0x3E80  }
0x93: {  	[sflag:s11] =	ssyncset.done $0x0  }
0x94: {  	s21 =	rddreg [dreg:$0x17];
	[sflag:s11] =	ssyncadd.s32 $0xFFFFC180  }
0x95: {  	[tilespmem:s16], [sflag:$0x2] =	stream.indirect.gather [hbm4b:s0+s13], $0x80, s21, s13, $0xb8;
	[tilespmem:$0x1C880] =	vst v63  }
0x96: {  	_ =	swait.ge [sflag:s22], $0x3E80  }
0x97: {  	[sflag:s22] =	ssyncset.done $0x0  }
0x98: {  	[sflag:s22] =	ssyncadd.s32 $0xFFFFC180  }
0x99: {  	[spmem:s2] =	stream.indirect.scatter.add.f32 [tilespmem:s14], [sflag:$0x4], $0x80, s24, s13, $0xb8;
	[tilespmem:$0x1C880] =	vst v63  }
0x9a: {  	_ =	swait.ge [sflag:s11], $0x3E80  }
0x9b: {  	[sflag:s11] =	ssyncset.done $0x0  }
0x9c: {  	[sflag:s11] =	ssyncadd.s32 $0xFFFFC180  }
0x9d: {  	[tilespmem:s14], [sflag:$0x1] =	stream.indirect.gather [hbm4b:s0+s13], $0x80, s25, s13, $0xb8;
	[tilespmem:$0x1C880] =	vst v63  }
0x9e: {  	_ =	swait.ge [sflag:s23], $0x3E80  }
0x9f: {  	[sflag:s23] =	ssyncset.done $0x0  }
0xa0: {  	[sflag:s23] =	ssyncadd.s32 $0xFFFFC180  }
0xa1: {  	[spmem:s2] =	stream.indirect.scatter.add.f32 [tilespmem:s16], [sflag:$0x4], $0x80, s26, s13, $0xb8;
	[tilespmem:$0x1C880] =	vst v63  }
0xa2: {  	_ =	swait.ge [sflag:s11], $0x3E80  }
0xa3: {  	[sflag:s11] =	ssyncset.done $0x0  }
0xa4: {  	[sflag:s11] =	ssyncadd.s32 $0xFFFFC180  }
0xa5: {  	[tilespmem:s16], [sflag:$0x2] =	stream.indirect.gather [hbm4b:s0+s13], $0x80, s28, s13, $0xb8;
	[tilespmem:$0x1C880] =	vst v63  }
0xa6: {  	_ =	swait.ge [sflag:s22], $0x3E80  }
0xa7: {  	[sflag:s22] =	ssyncset.done $0x0  }
0xa8: {  	[sflag:s22] =	ssyncadd.s32 $0xFFFFC180  }
0xa9: {  	[spmem:s2] =	stream.indirect.scatter.add.f32 [tilespmem:s14], [sflag:$0x4], $0x80, s29, s13, $0xb8;
	[tilespmem:$0x1C880] =	vst v63  }
0xaa: {  	_ =	swait.ge [sflag:s11], $0x3E80  }
0xab: {  	[sflag:s11] =	ssyncset.done $0x0  }
0xac: {  	[sflag:s11] =	ssyncadd.s32 $0xFFFFC180  }
0xad: {  	[tilespmem:s14], [sflag:$0x1] =	stream.indirect.gather [hbm4b:s0+s13], $0x80, s30, s13, $0xb8;
	[tilespmem:$0x1C880] =	vst v63  }
0xae: {  	_ =	swait.ge [sflag:s23], $0x3E80  }
0xaf: {  	[sflag:s23] =	ssyncset.done $0x0  }
0xb0: {  	[sflag:s23] =	ssyncadd.s32 $0xFFFFC180  }
0xb1: {  	[spmem:s2] =	stream.indirect.scatter.add.f32 [tilespmem:s16], [sflag:$0x4], $0x80, s31, s13, $0xb8;
	[tilespmem:$0x1C880] =	vst v63  }
0xb2: {  	_ =	swait.ge [sflag:s11], $0x3E80  }
0xb3: {  	[sflag:s11] =	ssyncset.done $0x0  }
0xb4: {  	[sflag:s11] =	ssyncadd.s32 $0xFFFFC180  }
0xb5: {  	[tilespmem:s16], [sflag:$0x2] =	stream.indirect.gather [hbm4b:s0+s13], $0x80, s1, s13, $0xb8;
	[tilespmem:$0x1C880] =	vst v63  }
0xb6: {  	_ =	swait.ge [sflag:s22], $0x3E80  }
0xb7: {  	[sflag:s22] =	ssyncset.done $0x0  }
0xb8: {  	[sflag:s22] =	ssyncadd.s32 $0xFFFFC180  }
0xb9: {  	[spmem:s2] =	stream.indirect.scatter.add.f32 [tilespmem:s14], [sflag:$0x4], $0x80, s15, s13, $0xb8;
	[tilespmem:$0x1C880] =	vst v63  }
0xba: {  	_ =	swait.ge [sflag:s11], $0x3E80  }
0xbb: {  	[sflag:s11] =	ssyncset.done $0x0  }
0xbc: {  	[sflag:s11] =	ssyncadd.s32 $0xFFFFC180  }
0xbd: {  	_ =	swait.ge [sflag:s23], $0x3E80  }
0xbe: {  	[sflag:s23] =	ssyncset.done $0x0  }
0xbf: {  	p2 =	por $0x0, $0x0;
	[sflag:s23] =	ssyncadd.s32 $0xFFFFC180  }
0xc0: {  	[spmem:s2] =	stream.indirect.scatter.add.f32 [tilespmem:s16], [sflag:$0x4], $0x80, s7, s13, $0xb8;
	[tilespmem:$0x1C880] =	vst v63  }
0xc1: {  	s4 =	simm.s32 $0x200;
	s10 =	simm.s32 $0x100;
	_ =	swait.ge [sflag:s11], $0x3E80  }
.LBB2_2:
0xc2: {  	s17 =	sadd.s32 @!p2 s10, s5;
	[sflag:s11] =	ssyncset.done $0x0  }
0xc3: {  	s18 =	simm.s32 @!p2 $0x0;
	s21 =	simm.s32 @!p2 $0x4;
	[sflag:s11] =	ssyncadd.s32 $0xFFFFC180  }
0xc4: {  	[tilespmem:s18], [sflag:$0x4] =	stream.linear.gather @!p2 [hbm4b:s17+s18], $0x800, $0x38;
	[tilespmem:$0x1C880] =	vst v63  }
0xc5: {  	_ =	swait.ge @!p2 [sflag:s21], $0x800  }
0xc6: {  	[sflag:s21] =	ssyncset.done @!p2 $0x0  }
0xc7: {  	s9 =	simm.s32 @!p2 $0x800;
	s17 =	sadd.s32 @!p2 s10, s6;
	[sflag:s21] =	ssyncadd.s32 @!p2 $0xFFFFF800  }
0xc8: {  	[tilespmem:s9], [sflag:$0x4] =	stream.linear.gather @!p2 [hbm4b:s17+s18], $0x800, $0x38;
	[tilespmem:$0x1C880] =	vst v63  }
0xc9: {  	s3 =	smov.u32 s4;
	_ =	swait.ge @!p2 [sflag:s21], $0x800  }
0xca: {  	s10 =	smov.u32 s3;
	[sflag:s21] =	ssyncset.done @!p2 $0x0  }
0xcb: {  	s3 =	simm.s32 @!p2 $0x7D;
	s9 =	simm.s32 @!p2 $0x1000;
	[sflag:s21] =	ssyncadd.s32 @!p2 $0xFFFFF800  }
0xcc: {  	[tilespmem:s9], [sflag:$0x1] =	stream.indirect.gather @!p2 [hbm4b:s0+s3], $0x80, s18, s3, $0xb8;
	[tilespmem:$0x1C880] =	vst v63  }
0xcd: {  	s17 =	simm.s32 @!p2 $0x80;
	s21 =	simm.s32 @!p2 $0x5000  }
0xce: {  	[tilespmem:s21], [sflag:$0x2] =	stream.indirect.gather @!p2 [hbm4b:s0+s3], $0x80, s17, s3, $0xb8;
	[tilespmem:$0x1C880] =	vst v63  }
0xcf: {  	_ =	swait.ge [sflag:s22], $0x3E80  }
0xd0: {  	[sflag:s22] =	ssyncset.done $0x0  }
0xd1: {  	[sflag:s22] =	ssyncadd.s32 $0xFFFFC180  }
0xd2: {  	[spmem:s2] =	stream.indirect.scatter.add.f32 [tilespmem:s14], [sflag:$0x4], $0x80, s12, s13, $0xb8;
	[tilespmem:$0x1C880] =	vst v63  }
0xd3: {  	_ =	swait.ge [sflag:s11], $0x3E80  }
0xd4: {  	[sflag:s11] =	ssyncset.done $0x0  }
0xd5: {  	s17 =	rddreg [dreg:$0x5];
	[sflag:s11] =	ssyncadd.s32 $0xFFFFC180  }
0xd6: {  	[tilespmem:s14], [sflag:$0x1] =	stream.indirect.gather [hbm4b:s0+s13], $0x80, s17, s13, $0xb8;
	[tilespmem:$0x1C880] =	vst v63  }
0xd7: {  	_ =	swait.ge [sflag:s23], $0x3E80  }
0xd8: {  	[sflag:s23] =	ssyncset.done $0x0  }
0xd9: {  	s18 =	rddreg [dreg:$0x6];
	[sflag:s23] =	ssyncadd.s32 $0xFFFFC180  }
0xda: {  	[spmem:s2] =	stream.indirect.scatter.add.f32 [tilespmem:s16], [sflag:$0x4], $0x80, s18, s13, $0xb8;
	[tilespmem:$0x1C880] =	vst v63  }
0xdb: {  	_ =	swait.ge [sflag:s11], $0x3E80  }
0xdc: {  	[sflag:s11] =	ssyncset.done $0x0  }
0xdd: {  	s21 =	rddreg [dreg:$0x7];
	[sflag:s11] =	ssyncadd.s32 $0xFFFFC180  }
0xde: {  	[tilespmem:s16], [sflag:$0x2] =	stream.indirect.gather [hbm4b:s0+s13], $0x80, s21, s13, $0xb8;
	[tilespmem:$0x1C880] =	vst v63  }
0xdf: {  	_ =	swait.ge [sflag:s22], $0x3E80  }
0xe0: {  	[sflag:s22] =	ssyncset.done $0x0  }
0xe1: {  	s9 =	rddreg [dreg:$0x8];
	[sflag:s22] =	ssyncadd.s32 $0xFFFFC180  }
0xe2: {  	[spmem:s2] =	stream.indirect.scatter.add.f32 [tilespmem:s14], [sflag:$0x4], $0x80, s9, s13, $0xb8;
	[tilespmem:$0x1C880] =	vst v63  }
0xe3: {  	_ =	swait.ge [sflag:s11], $0x3E80  }
0xe4: {  	[sflag:s11] =	ssyncset.done $0x0  }
0xe5: {  	s17 =	rddreg [dreg:$0x9];
	[sflag:s11] =	ssyncadd.s32 $0xFFFFC180  }
0xe6: {  	[tilespmem:s14], [sflag:$0x1] =	stream.indirect.gather [hbm4b:s0+s13], $0x80, s17, s13, $0xb8;
	[tilespmem:$0x1C880] =	vst v63  }
0xe7: {  	_ =	swait.ge [sflag:s23], $0x3E80  }
0xe8: {  	[sflag:s23] =	ssyncset.done $0x0  }
0xe9: {  	s18 =	rddreg [dreg:$0xa];
	[sflag:s23] =	ssyncadd.s32 $0xFFFFC180  }
0xea: {  	[spmem:s2] =	stream.indirect.scatter.add.f32 [tilespmem:s16], [sflag:$0x4], $0x80, s18, s13, $0xb8;
	[tilespmem:$0x1C880] =	vst v63  }
0xeb: {  	_ =	swait.ge [sflag:s11], $0x3E80  }
0xec: {  	[sflag:s11] =	ssyncset.done $0x0  }
0xed: {  	s21 =	rddreg [dreg:$0xb];
	[sflag:s11] =	ssyncadd.s32 $0xFFFFC180  }
0xee: {  	[tilespmem:s16], [sflag:$0x2] =	stream.indirect.gather [hbm4b:s0+s13], $0x80, s21, s13, $0xb8;
	[tilespmem:$0x1C880] =	vst v63  }
0xef: {  	_ =	swait.ge [sflag:s22], $0x3E80  }
0xf0: {  	[sflag:s22] =	ssyncset.done $0x0  }
0xf1: {  	s9 =	rddreg [dreg:$0xc];
	[sflag:s22] =	ssyncadd.s32 $0xFFFFC180  }
0xf2: {  	[spmem:s2] =	stream.indirect.scatter.add.f32 [tilespmem:s14], [sflag:$0x4], $0x80, s9, s13, $0xb8;
	[tilespmem:$0x1C880] =	vst v63  }
0xf3: {  	_ =	swait.ge [sflag:s11], $0x3E80  }
0xf4: {  	[sflag:s11] =	ssyncset.done $0x0  }
0xf5: {  	s17 =	rddreg [dreg:$0xd];
	[sflag:s11] =	ssyncadd.s32 $0xFFFFC180  }
0xf6: {  	[tilespmem:s14], [sflag:$0x1] =	stream.indirect.gather [hbm4b:s0+s13], $0x80, s17, s13, $0xb8;
	[tilespmem:$0x1C880] =	vst v63  }
0xf7: {  	_ =	swait.ge [sflag:s23], $0x3E80  }
0xf8: {  	[sflag:s23] =	ssyncset.done $0x0  }
0xf9: {  	s18 =	rddreg [dreg:$0xe];
	[sflag:s23] =	ssyncadd.s32 $0xFFFFC180  }
0xfa: {  	[spmem:s2] =	stream.indirect.scatter.add.f32 [tilespmem:s16], [sflag:$0x4], $0x80, s18, s13, $0xb8;
	[tilespmem:$0x1C880] =	vst v63  }
0xfb: {  	_ =	swait.ge [sflag:s11], $0x3E80  }
0xfc: {  	[sflag:s11] =	ssyncset.done $0x0  }
0xfd: {  	s21 =	rddreg [dreg:$0xf];
	[sflag:s11] =	ssyncadd.s32 $0xFFFFC180  }
0xfe: {  	[tilespmem:s16], [sflag:$0x2] =	stream.indirect.gather [hbm4b:s0+s13], $0x80, s21, s13, $0xb8;
	[tilespmem:$0x1C880] =	vst v63  }
0xff: {  	_ =	swait.ge [sflag:s22], $0x3E80  }
0x100: {  	[sflag:s22] =	ssyncset.done $0x0  }
0x101: {  	s9 =	rddreg [dreg:$0x10];
	[sflag:s22] =	ssyncadd.s32 $0xFFFFC180  }
0x102: {  	[spmem:s2] =	stream.indirect.scatter.add.f32 [tilespmem:s14], [sflag:$0x4], $0x80, s9, s13, $0xb8;
	[tilespmem:$0x1C880] =	vst v63  }
0x103: {  	_ =	swait.ge [sflag:s11], $0x3E80  }
0x104: {  	[sflag:s11] =	ssyncset.done $0x0  }
0x105: {  	s17 =	rddreg [dreg:$0x11];
	[sflag:s11] =	ssyncadd.s32 $0xFFFFC180  }
0x106: {  	[tilespmem:s14], [sflag:$0x1] =	stream.indirect.gather [hbm4b:s0+s13], $0x80, s17, s13, $0xb8;
	[tilespmem:$0x1C880] =	vst v63  }
0x107: {  	_ =	swait.ge [sflag:s23], $0x3E80  }
0x108: {  	[sflag:s23] =	ssyncset.done $0x0  }
0x109: {  	s18 =	rddreg [dreg:$0x12];
	[sflag:s23] =	ssyncadd.s32 $0xFFFFC180  }
0x10a: {  	[spmem:s2] =	stream.indirect.scatter.add.f32 [tilespmem:s16], [sflag:$0x4], $0x80, s18, s13, $0xb8;
	[tilespmem:$0x1C880] =	vst v63  }
0x10b: {  	_ =	swait.ge [sflag:s11], $0x3E80  }
0x10c: {  	[sflag:s11] =	ssyncset.done $0x0  }
0x10d: {  	s21 =	rddreg [dreg:$0x13];
	[sflag:s11] =	ssyncadd.s32 $0xFFFFC180  }
0x10e: {  	[tilespmem:s16], [sflag:$0x2] =	stream.indirect.gather [hbm4b:s0+s13], $0x80, s21, s13, $0xb8;
	[tilespmem:$0x1C880] =	vst v63  }
0x10f: {  	_ =	swait.ge [sflag:s22], $0x3E80  }
0x110: {  	[sflag:s22] =	ssyncset.done $0x0  }
0x111: {  	s9 =	rddreg [dreg:$0x14];
	[sflag:s22] =	ssyncadd.s32 $0xFFFFC180  }
0x112: {  	[spmem:s2] =	stream.indirect.scatter.add.f32 [tilespmem:s14], [sflag:$0x4], $0x80, s9, s13, $0xb8;
	[tilespmem:$0x1C880] =	vst v63  }
0x113: {  	_ =	swait.ge [sflag:s11], $0x3E80  }
0x114: {  	[sflag:s11] =	ssyncset.done $0x0  }
0x115: {  	s17 =	rddreg [dreg:$0x15];
	[sflag:s11] =	ssyncadd.s32 $0xFFFFC180  }
0x116: {  	[tilespmem:s14], [sflag:$0x1] =	stream.indirect.gather [hbm4b:s0+s13], $0x80, s17, s13, $0xb8;
	[tilespmem:$0x1C880] =	vst v63  }
0x117: {  	_ =	swait.ge [sflag:s23], $0x3E80  }
0x118: {  	[sflag:s23] =	ssyncset.done $0x0  }
0x119: {  	s18 =	rddreg [dreg:$0x16];
	[sflag:s23] =	ssyncadd.s32 $0xFFFFC180  }
0x11a: {  	[spmem:s2] =	stream.indirect.scatter.add.f32 [tilespmem:s16], [sflag:$0x4], $0x80, s18, s13, $0xb8;
	[tilespmem:$0x1C880] =	vst v63  }
0x11b: {  	_ =	swait.ge [sflag:s11], $0x3E80  }
0x11c: {  	[sflag:s11] =	ssyncset.done $0x0  }
0x11d: {  	s21 =	rddreg [dreg:$0x17];
	[sflag:s11] =	ssyncadd.s32 $0xFFFFC180  }
0x11e: {  	[tilespmem:s16], [sflag:$0x2] =	stream.indirect.gather [hbm4b:s0+s13], $0x80, s21, s13, $0xb8;
	[tilespmem:$0x1C880] =	vst v63  }
0x11f: {  	_ =	swait.ge [sflag:s22], $0x3E80  }
0x120: {  	[sflag:s22] =	ssyncset.done $0x0  }
0x121: {  	[sflag:s22] =	ssyncadd.s32 $0xFFFFC180  }
0x122: {  	[spmem:s2] =	stream.indirect.scatter.add.f32 [tilespmem:s14], [sflag:$0x4], $0x80, s24, s13, $0xb8;
	[tilespmem:$0x1C880] =	vst v63  }
0x123: {  	_ =	swait.ge [sflag:s11], $0x3E80  }
0x124: {  	[sflag:s11] =	ssyncset.done $0x0  }
0x125: {  	[sflag:s11] =	ssyncadd.s32 $0xFFFFC180  }
0x126: {  	[tilespmem:s14], [sflag:$0x1] =	stream.indirect.gather [hbm4b:s0+s13], $0x80, s25, s13, $0xb8;
	[tilespmem:$0x1C880] =	vst v63  }
0x127: {  	_ =	swait.ge [sflag:s23], $0x3E80  }
0x128: {  	[sflag:s23] =	ssyncset.done $0x0  }
0x129: {  	[sflag:s23] =	ssyncadd.s32 $0xFFFFC180  }
0x12a: {  	[spmem:s2] =	stream.indirect.scatter.add.f32 [tilespmem:s16], [sflag:$0x4], $0x80, s26, s13, $0xb8;
	[tilespmem:$0x1C880] =	vst v63  }
0x12b: {  	_ =	swait.ge [sflag:s11], $0x3E80  }
0x12c: {  	[sflag:s11] =	ssyncset.done $0x0  }
0x12d: {  	[sflag:s11] =	ssyncadd.s32 $0xFFFFC180  }
0x12e: {  	[tilespmem:s16], [sflag:$0x2] =	stream.indirect.gather [hbm4b:s0+s13], $0x80, s28, s13, $0xb8;
	[tilespmem:$0x1C880] =	vst v63  }
0x12f: {  	_ =	swait.ge [sflag:s22], $0x3E80  }
0x130: {  	[sflag:s22] =	ssyncset.done $0x0  }
0x131: {  	[sflag:s22] =	ssyncadd.s32 $0xFFFFC180  }
0x132: {  	[spmem:s2] =	stream.indirect.scatter.add.f32 [tilespmem:s14], [sflag:$0x4], $0x80, s29, s13, $0xb8;
	[tilespmem:$0x1C880] =	vst v63  }
0x133: {  	_ =	swait.ge [sflag:s11], $0x3E80  }
0x134: {  	[sflag:s11] =	ssyncset.done $0x0  }
0x135: {  	[sflag:s11] =	ssyncadd.s32 $0xFFFFC180  }
0x136: {  	[tilespmem:s14], [sflag:$0x1] =	stream.indirect.gather [hbm4b:s0+s13], $0x80, s30, s13, $0xb8;
	[tilespmem:$0x1C880] =	vst v63  }
0x137: {  	_ =	swait.ge [sflag:s23], $0x3E80  }
0x138: {  	[sflag:s23] =	ssyncset.done $0x0  }
0x139: {  	[sflag:s23] =	ssyncadd.s32 $0xFFFFC180  }
0x13a: {  	[spmem:s2] =	stream.indirect.scatter.add.f32 [tilespmem:s16], [sflag:$0x4], $0x80, s31, s13, $0xb8;
	[tilespmem:$0x1C880] =	vst v63  }
0x13b: {  	_ =	swait.ge [sflag:s11], $0x3E80  }
0x13c: {  	[sflag:s11] =	ssyncset.done $0x0  }
0x13d: {  	[sflag:s11] =	ssyncadd.s32 $0xFFFFC180  }
0x13e: {  	[tilespmem:s16], [sflag:$0x2] =	stream.indirect.gather [hbm4b:s0+s13], $0x80, s1, s13, $0xb8;
	[tilespmem:$0x1C880] =	vst v63  }
0x13f: {  	_ =	swait.ge [sflag:s22], $0x3E80  }
0x140: {  	[sflag:s22] =	ssyncset.done $0x0  }
0x141: {  	[sflag:s22] =	ssyncadd.s32 $0xFFFFC180  }
0x142: {  	[spmem:s2] =	stream.indirect.scatter.add.f32 [tilespmem:s14], [sflag:$0x4], $0x80, s15, s13, $0xb8;
	[tilespmem:$0x1C880] =	vst v63  }
0x143: {  	_ =	swait.ge [sflag:s11], $0x3E80  }
0x144: {  	s4 =	sadd.s32 $0x100, s4;
	[sflag:s11] =	ssyncset.done $0x0  }
0x145: {  	p1 =	sne.s32 s4, $0x500;
	[sflag:s11] =	ssyncadd.s32 $0xFFFFC180  }
.Ltmp0:
0x146: {  	_ =	swait.ge [sflag:s23], $0x3E80;
	(pc) =	sbr.rel @p1 .LBB2_2-.Ltmp0, $4  }
0x147: {  	[sflag:s23] =	ssyncset.done $0x0  }
0x148: {  	[sflag:s23] =	ssyncadd.s32 $0xFFFFC180  }
0x149: {  	[spmem:s2] =	stream.indirect.scatter.add.f32 [tilespmem:s16], [sflag:$0x4], $0x80, s7, s13, $0xb8;
	[tilespmem:$0x1C880] =	vst v63  }
0x14a: {  	p2 =	seq.s32 s10, $0x0;
	_ =	swait.ge [sflag:s11], $0x3E80  }
0x14b: {  	s3 =	sadd.s32 @!p2 s10, s5;
	[sflag:s11] =	ssyncset.done $0x0  }
0x14c: {  	s4 =	simm.s32 @!p2 $0x0;
	s9 =	simm.s32 @!p2 $0x4;
	[sflag:s11] =	ssyncadd.s32 $0xFFFFC180  }
0x14d: {  	[tilespmem:s4], [sflag:$0x4] =	stream.linear.gather @!p2 [hbm4b:s3+s4], $0x800, $0x38;
	[tilespmem:$0x1C880] =	vst v63  }
0x14e: {  	_ =	swait.ge @!p2 [sflag:s9], $0x800  }
0x14f: {  	[sflag:s9] =	ssyncset.done @!p2 $0x0  }
0x150: {  	s3 =	sadd.s32 @!p2 s10, s6;
	s10 =	simm.s32 @!p2 $0x800;
	[sflag:s9] =	ssyncadd.s32 @!p2 $0xFFFFF800  }
0x151: {  	[tilespmem:s10], [sflag:$0x4] =	stream.linear.gather @!p2 [hbm4b:s3+s4], $0x800, $0x38;
	[tilespmem:$0x1C880] =	vst v63  }
0x152: {  	_ =	swait.ge @!p2 [sflag:s9], $0x800  }
0x153: {  	[sflag:s9] =	ssyncset.done @!p2 $0x0  }
0x154: {  	s3 =	simm.s32 @!p2 $0x7D;
	[sflag:s9] =	ssyncadd.s32 @!p2 $0xFFFFF800;
	s9 =	simm.s32 @!p2 $0x1000  }
0x155: {  	[tilespmem:s9], [sflag:$0x1] =	stream.indirect.gather @!p2 [hbm4b:s0+s3], $0x80, s4, s3, $0xb8;
	[tilespmem:$0x1C880] =	vst v63  }
0x156: {  	s4 =	simm.s32 @!p2 $0x80;
	s9 =	simm.s32 @!p2 $0x5000  }
0x157: {  	[tilespmem:s9], [sflag:$0x2] =	stream.indirect.gather @!p2 [hbm4b:s0+s3], $0x80, s4, s3, $0xb8;
	[tilespmem:$0x1C880] =	vst v63  }
0x158: {  	_ =	swait.ge [sflag:s22], $0x3E80  }
0x159: {  	[sflag:s22] =	ssyncset.done $0x0  }
0x15a: {  	[sflag:s22] =	ssyncadd.s32 $0xFFFFC180  }
0x15b: {  	[spmem:s2] =	stream.indirect.scatter.add.f32 [tilespmem:s14], [sflag:$0x4], $0x80, s12, s13, $0xb8;
	[tilespmem:$0x1C880] =	vst v63  }
0x15c: {  	_ =	swait.ge [sflag:s11], $0x3E80  }
0x15d: {  	[sflag:s11] =	ssyncset.done $0x0  }
0x15e: {  	s10 =	rddreg [dreg:$0x5];
	[sflag:s11] =	ssyncadd.s32 $0xFFFFC180  }
0x15f: {  	[tilespmem:s14], [sflag:$0x1] =	stream.indirect.gather [hbm4b:s0+s13], $0x80, s10, s13, $0xb8;
	[tilespmem:$0x1C880] =	vst v63  }
0x160: {  	_ =	swait.ge [sflag:s23], $0x3E80  }
0x161: {  	[sflag:s23] =	ssyncset.done $0x0  }
0x162: {  	s17 =	rddreg [dreg:$0x6];
	[sflag:s23] =	ssyncadd.s32 $0xFFFFC180  }
0x163: {  	[spmem:s2] =	stream.indirect.scatter.add.f32 [tilespmem:s16], [sflag:$0x4], $0x80, s17, s13, $0xb8;
	[tilespmem:$0x1C880] =	vst v63  }
0x164: {  	_ =	swait.ge [sflag:s11], $0x3E80  }
0x165: {  	[sflag:s11] =	ssyncset.done $0x0  }
0x166: {  	s18 =	rddreg [dreg:$0x7];
	[sflag:s11] =	ssyncadd.s32 $0xFFFFC180  }
0x167: {  	[tilespmem:s16], [sflag:$0x2] =	stream.indirect.gather [hbm4b:s0+s13], $0x80, s18, s13, $0xb8;
	[tilespmem:$0x1C880] =	vst v63  }
0x168: {  	_ =	swait.ge [sflag:s22], $0x3E80  }
0x169: {  	[sflag:s22] =	ssyncset.done $0x0  }
0x16a: {  	s21 =	rddreg [dreg:$0x8];
	[sflag:s22] =	ssyncadd.s32 $0xFFFFC180  }
0x16b: {  	[spmem:s2] =	stream.indirect.scatter.add.f32 [tilespmem:s14], [sflag:$0x4], $0x80, s21, s13, $0xb8;
	[tilespmem:$0x1C880] =	vst v63  }
0x16c: {  	_ =	swait.ge [sflag:s11], $0x3E80  }
0x16d: {  	[sflag:s11] =	ssyncset.done $0x0  }
0x16e: {  	s4 =	rddreg [dreg:$0x9];
	[sflag:s11] =	ssyncadd.s32 $0xFFFFC180  }
0x16f: {  	[tilespmem:s14], [sflag:$0x1] =	stream.indirect.gather [hbm4b:s0+s13], $0x80, s4, s13, $0xb8;
	[tilespmem:$0x1C880] =	vst v63  }
0x170: {  	_ =	swait.ge [sflag:s23], $0x3E80  }
0x171: {  	[sflag:s23] =	ssyncset.done $0x0  }
0x172: {  	s9 =	rddreg [dreg:$0xa];
	[sflag:s23] =	ssyncadd.s32 $0xFFFFC180  }
0x173: {  	[spmem:s2] =	stream.indirect.scatter.add.f32 [tilespmem:s16], [sflag:$0x4], $0x80, s9, s13, $0xb8;
	[tilespmem:$0x1C880] =	vst v63  }
0x174: {  	_ =	swait.ge [sflag:s11], $0x3E80  }
0x175: {  	[sflag:s11] =	ssyncset.done $0x0  }
0x176: {  	s10 =	rddreg [dreg:$0xb];
	[sflag:s11] =	ssyncadd.s32 $0xFFFFC180  }
0x177: {  	[tilespmem:s16], [sflag:$0x2] =	stream.indirect.gather [hbm4b:s0+s13], $0x80, s10, s13, $0xb8;
	[tilespmem:$0x1C880] =	vst v63  }
0x178: {  	_ =	swait.ge [sflag:s22], $0x3E80  }
0x179: {  	[sflag:s22] =	ssyncset.done $0x0  }
0x17a: {  	s17 =	rddreg [dreg:$0xc];
	[sflag:s22] =	ssyncadd.s32 $0xFFFFC180  }
0x17b: {  	[spmem:s2] =	stream.indirect.scatter.add.f32 [tilespmem:s14], [sflag:$0x4], $0x80, s17, s13, $0xb8;
	[tilespmem:$0x1C880] =	vst v63  }
0x17c: {  	_ =	swait.ge [sflag:s11], $0x3E80  }
0x17d: {  	[sflag:s11] =	ssyncset.done $0x0  }
0x17e: {  	s18 =	rddreg [dreg:$0xd];
	[sflag:s11] =	ssyncadd.s32 $0xFFFFC180  }
0x17f: {  	[tilespmem:s14], [sflag:$0x1] =	stream.indirect.gather [hbm4b:s0+s13], $0x80, s18, s13, $0xb8;
	[tilespmem:$0x1C880] =	vst v63  }
0x180: {  	_ =	swait.ge [sflag:s23], $0x3E80  }
0x181: {  	[sflag:s23] =	ssyncset.done $0x0  }
0x182: {  	s21 =	rddreg [dreg:$0xe];
	[sflag:s23] =	ssyncadd.s32 $0xFFFFC180  }
0x183: {  	[spmem:s2] =	stream.indirect.scatter.add.f32 [tilespmem:s16], [sflag:$0x4], $0x80, s21, s13, $0xb8;
	[tilespmem:$0x1C880] =	vst v63  }
0x184: {  	_ =	swait.ge [sflag:s11], $0x3E80  }
0x185: {  	[sflag:s11] =	ssyncset.done $0x0  }
0x186: {  	s4 =	rddreg [dreg:$0xf];
	[sflag:s11] =	ssyncadd.s32 $0xFFFFC180  }
0x187: {  	[tilespmem:s16], [sflag:$0x2] =	stream.indirect.gather [hbm4b:s0+s13], $0x80, s4, s13, $0xb8;
	[tilespmem:$0x1C880] =	vst v63  }
0x188: {  	_ =	swait.ge [sflag:s22], $0x3E80  }
0x189: {  	[sflag:s22] =	ssyncset.done $0x0  }
0x18a: {  	s9 =	rddreg [dreg:$0x10];
	[sflag:s22] =	ssyncadd.s32 $0xFFFFC180  }
0x18b: {  	[spmem:s2] =	stream.indirect.scatter.add.f32 [tilespmem:s14], [sflag:$0x4], $0x80, s9, s13, $0xb8;
	[tilespmem:$0x1C880] =	vst v63  }
0x18c: {  	_ =	swait.ge [sflag:s11], $0x3E80  }
0x18d: {  	[sflag:s11] =	ssyncset.done $0x0  }
0x18e: {  	s10 =	rddreg [dreg:$0x11];
	[sflag:s11] =	ssyncadd.s32 $0xFFFFC180  }
0x18f: {  	[tilespmem:s14], [sflag:$0x1] =	stream.indirect.gather [hbm4b:s0+s13], $0x80, s10, s13, $0xb8;
	[tilespmem:$0x1C880] =	vst v63  }
0x190: {  	_ =	swait.ge [sflag:s23], $0x3E80  }
0x191: {  	[sflag:s23] =	ssyncset.done $0x0  }
0x192: {  	s17 =	rddreg [dreg:$0x12];
	[sflag:s23] =	ssyncadd.s32 $0xFFFFC180  }
0x193: {  	[spmem:s2] =	stream.indirect.scatter.add.f32 [tilespmem:s16], [sflag:$0x4], $0x80, s17, s13, $0xb8;
	[tilespmem:$0x1C880] =	vst v63  }
0x194: {  	_ =	swait.ge [sflag:s11], $0x3E80  }
0x195: {  	[sflag:s11] =	ssyncset.done $0x0  }
0x196: {  	s18 =	rddreg [dreg:$0x13];
	[sflag:s11] =	ssyncadd.s32 $0xFFFFC180  }
0x197: {  	[tilespmem:s16], [sflag:$0x2] =	stream.indirect.gather [hbm4b:s0+s13], $0x80, s18, s13, $0xb8;
	[tilespmem:$0x1C880] =	vst v63  }
0x198: {  	_ =	swait.ge [sflag:s22], $0x3E80  }
0x199: {  	[sflag:s22] =	ssyncset.done $0x0  }
0x19a: {  	s21 =	rddreg [dreg:$0x14];
	[sflag:s22] =	ssyncadd.s32 $0xFFFFC180  }
0x19b: {  	[spmem:s2] =	stream.indirect.scatter.add.f32 [tilespmem:s14], [sflag:$0x4], $0x80, s21, s13, $0xb8;
	[tilespmem:$0x1C880] =	vst v63  }
0x19c: {  	_ =	swait.ge [sflag:s11], $0x3E80  }
0x19d: {  	[sflag:s11] =	ssyncset.done $0x0  }
0x19e: {  	s4 =	rddreg [dreg:$0x15];
	[sflag:s11] =	ssyncadd.s32 $0xFFFFC180  }
0x19f: {  	[tilespmem:s14], [sflag:$0x1] =	stream.indirect.gather [hbm4b:s0+s13], $0x80, s4, s13, $0xb8;
	[tilespmem:$0x1C880] =	vst v63  }
0x1a0: {  	_ =	swait.ge [sflag:s23], $0x3E80  }
0x1a1: {  	[sflag:s23] =	ssyncset.done $0x0  }
0x1a2: {  	s9 =	rddreg [dreg:$0x16];
	[sflag:s23] =	ssyncadd.s32 $0xFFFFC180  }
0x1a3: {  	[spmem:s2] =	stream.indirect.scatter.add.f32 [tilespmem:s16], [sflag:$0x4], $0x80, s9, s13, $0xb8;
	[tilespmem:$0x1C880] =	vst v63  }
0x1a4: {  	_ =	swait.ge [sflag:s11], $0x3E80  }
0x1a5: {  	[sflag:s11] =	ssyncset.done $0x0  }
0x1a6: {  	s10 =	rddreg [dreg:$0x17];
	[sflag:s11] =	ssyncadd.s32 $0xFFFFC180  }
0x1a7: {  	[tilespmem:s16], [sflag:$0x2] =	stream.indirect.gather [hbm4b:s0+s13], $0x80, s10, s13, $0xb8;
	[tilespmem:$0x1C880] =	vst v63  }
0x1a8: {  	_ =	swait.ge [sflag:s22], $0x3E80  }
0x1a9: {  	[sflag:s22] =	ssyncset.done $0x0  }
0x1aa: {  	[sflag:s22] =	ssyncadd.s32 $0xFFFFC180  }
0x1ab: {  	[spmem:s2] =	stream.indirect.scatter.add.f32 [tilespmem:s14], [sflag:$0x4], $0x80, s24, s13, $0xb8;
	[tilespmem:$0x1C880] =	vst v63  }
0x1ac: {  	_ =	swait.ge [sflag:s11], $0x3E80  }
0x1ad: {  	[sflag:s11] =	ssyncset.done $0x0  }
0x1ae: {  	[sflag:s11] =	ssyncadd.s32 $0xFFFFC180  }
0x1af: {  	[tilespmem:s14], [sflag:$0x1] =	stream.indirect.gather [hbm4b:s0+s13], $0x80, s25, s13, $0xb8;
	[tilespmem:$0x1C880] =	vst v63  }
0x1b0: {  	_ =	swait.ge [sflag:s23], $0x3E80  }
0x1b1: {  	[sflag:s23] =	ssyncset.done $0x0  }
0x1b2: {  	[sflag:s23] =	ssyncadd.s32 $0xFFFFC180  }
0x1b3: {  	[spmem:s2] =	stream.indirect.scatter.add.f32 [tilespmem:s16], [sflag:$0x4], $0x80, s26, s13, $0xb8;
	[tilespmem:$0x1C880] =	vst v63  }
0x1b4: {  	_ =	swait.ge [sflag:s11], $0x3E80  }
0x1b5: {  	[sflag:s11] =	ssyncset.done $0x0  }
0x1b6: {  	[sflag:s11] =	ssyncadd.s32 $0xFFFFC180  }
0x1b7: {  	[tilespmem:s16], [sflag:$0x2] =	stream.indirect.gather [hbm4b:s0+s13], $0x80, s28, s13, $0xb8;
	[tilespmem:$0x1C880] =	vst v63  }
0x1b8: {  	_ =	swait.ge [sflag:s22], $0x3E80  }
0x1b9: {  	[sflag:s22] =	ssyncset.done $0x0  }
0x1ba: {  	[sflag:s22] =	ssyncadd.s32 $0xFFFFC180  }
0x1bb: {  	[spmem:s2] =	stream.indirect.scatter.add.f32 [tilespmem:s14], [sflag:$0x4], $0x80, s29, s13, $0xb8;
	[tilespmem:$0x1C880] =	vst v63  }
0x1bc: {  	_ =	swait.ge [sflag:s11], $0x3E80  }
0x1bd: {  	[sflag:s11] =	ssyncset.done $0x0  }
0x1be: {  	[sflag:s11] =	ssyncadd.s32 $0xFFFFC180  }
0x1bf: {  	[tilespmem:s14], [sflag:$0x1] =	stream.indirect.gather [hbm4b:s0+s13], $0x80, s30, s13, $0xb8;
	[tilespmem:$0x1C880] =	vst v63  }
0x1c0: {  	_ =	swait.ge [sflag:s23], $0x3E80  }
0x1c1: {  	[sflag:s23] =	ssyncset.done $0x0  }
0x1c2: {  	[sflag:s23] =	ssyncadd.s32 $0xFFFFC180  }
0x1c3: {  	[spmem:s2] =	stream.indirect.scatter.add.f32 [tilespmem:s16], [sflag:$0x4], $0x80, s31, s13, $0xb8;
	[tilespmem:$0x1C880] =	vst v63  }
0x1c4: {  	_ =	swait.ge [sflag:s11], $0x3E80  }
0x1c5: {  	[sflag:s11] =	ssyncset.done $0x0  }
0x1c6: {  	[sflag:s11] =	ssyncadd.s32 $0xFFFFC180  }
0x1c7: {  	[tilespmem:s16], [sflag:$0x2] =	stream.indirect.gather [hbm4b:s0+s13], $0x80, s1, s13, $0xb8;
	[tilespmem:$0x1C880] =	vst v63  }
0x1c8: {  	_ =	swait.ge [sflag:s22], $0x3E80  }
0x1c9: {  	[sflag:s22] =	ssyncset.done $0x0  }
0x1ca: {  	[sflag:s22] =	ssyncadd.s32 $0xFFFFC180  }
0x1cb: {  	[spmem:s2] =	stream.indirect.scatter.add.f32 [tilespmem:s14], [sflag:$0x4], $0x80, s15, s13, $0xb8;
	[tilespmem:$0x1C880] =	vst v63  }
0x1cc: {  	_ =	swait.ge [sflag:s11], $0x3E80  }
0x1cd: {  	[sflag:s11] =	ssyncset.done $0x0  }
0x1ce: {  	[sflag:s11] =	ssyncadd.s32 $0xFFFFC180  }
0x1cf: {  	_ =	swait.ge [sflag:s23], $0x3E80  }
0x1d0: {  	[sflag:s23] =	ssyncset.done $0x0  }
0x1d1: {  	[sflag:s23] =	ssyncadd.s32 $0xFFFFC180  }
0x1d2: {  	[spmem:s2] =	stream.indirect.scatter.add.f32 [tilespmem:s16], [sflag:$0x4], $0x80, s7, s13, $0xb8;
	[tilespmem:$0x1C880] =	vst v63  }
0x1d3: {  	_ =	swait.ge [sflag:s11], $0x3E80  }
0x1d4: {  	[sflag:s11] =	ssyncset.done $0x0  }
0x1d5: {  	[sflag:s11] =	ssyncadd.s32 $0xFFFFC180  }
0x1d6: {  	[bflag:$0x0] =	sbarrier.arrive $0xFFFF  }
0x1d7: {  	s17 =	rddreg [dreg:$0x18]  }
0x1d8: {  	s9 =	rddreg [dreg:$0x1b]  }
0x1d9: {  	s18 =	rddreg [dreg:$0x1d]  }
0x1da: {  	s3 =	sadd.s32 s17, s9;
	s4 =	sor.u32 $0x1C04, s18  }
0x1db: {  	[hbm:s3], [sflag:s4] =	dma.local [spmem:s19], $0x2700  }
0x1dc: {  	_ =	swait.ge [sflag:s11], $0x2700  }
0x1dd: {  	[sflag:s11] =	ssyncset.done $0x0  }
0x1de: {  	s3 =	sadd.s32 @!p0 $0x27000, s9;
	[sflag:s11] =	ssyncadd.s32 $0xFFFFD900  }
0x1df: {  	[hbm:s3], [sflag:s4] =	dma.local @!p0 [spmem:s20], $0x100  }
0x1e0: {  	s3 =	simm.s32 @!p0 $0x4  }
0x1e1: {  	_ =	swait.ge @!p0 [sflag:s3], $0x100  }
0x1e2: {  	s8 =	sadd.s32 $0x1, s8;
	s21 =	rddreg [dreg:$0x1c]  }
0x1e3: {  	p1 =	sne.s32 s8, s21  }
.Ltmp1:
0x1e4: {  	_ = 	snop;
	(pc) =	sbr.rel @p1 .LBB2_1-.Ltmp1, $3  }
0x1e5: {  	_ =	sdelay $0x1  }
0x1e6: {  	[sflag:s3] =	ssyncset.done @!p0 $0x0  }
0x1e7: {  	[sflag:s3] =	ssyncadd.s32 @!p0 $0xFFFFFF00  }
0x1e8: {  	_ =	sfence.sel $0x180000  }
0x1e9: {  	[bflag:$0x0] =	sbarrier.arrive $0xFFFF  }
0x1ea: {  	_ =	strace $0x90000047  }
0x1eb: {  	[bflag:$0x2] =	sbarrier.arrive $0xFFFF  }
0x1ec: {  	s0 =	rddreg [dreg:$0x4]  }
0x1ed: {  	s0 =	sadd.s32 @!p0 $0x100000, s0  }
0x1ee: {  	[sflag:s0] =	ssyncadd.tile.s32 @!p0 $0x1;
	_ =	shalt  }
.Lfunc_end2:
_tile_overlayer_lowered:
.L_overlay_start_2:
0x1ef: {  	(tag) =	ssettag $0x2  }
0x1f0: {  	s0 =	rddreg [dreg:$0x0];
	s2 =	stileid.u32  }
0x1f1: {  	s1 =	rddreg [dreg:$0x1];
	p0 =	sne.s32 s2, $0x0  }
0x1f2: {  	s3 =	rddreg [dreg:$0x2];
	[bflag:$0x3] =	sbarrier.arrive $0xFFFF;
	s2 =	simm.s32 @!p0 $0x1C04  }
0x1f3: {  	[timem:s3], [sflag:s2] =	dma.local @!p0 [hbm:s0], s1  }
0x1f4: {  	s0 =	simm.s32 @!p0 $0x4  }
0x1f5: {  	_ =	swait.ge @!p0 [sflag:s0], s1  }
0x1f6: {  	s1 =	ssub.s32 @!p0 $0x0, s1;
	[sflag:s0] =	ssyncset.done @!p0 $0x0  }
0x1f7: {  	[sflag:s0] =	ssyncadd.s32 @!p0 s1  }
0x1f8: {  	[bflag:$0x3] =	sbarrier.arrive $0xFFFF  }
0x1f9: {  	_ =	shalt  }

</sc_bundles>
